<compile_context>
chip_gen: v7x
topology: tpu7x:2x2x1
jax: 0.10.2.dev20260603
libtpu: 0.0.44.dev20260713+nightly
codegen_flags: <defaults>
</compile_context>

<pallas_src>
import functools

import jax
import jax.numpy as jnp
from jax import lax
from jax.experimental import pallas as pl
from jax.experimental.pallas import tpu as pltpu
from jax.experimental.pallas import tpu_sc as plsc

E = 16
D = 1024
F = 768
T = 4096
R = 256
G = (2 * T) // R + E
S = G * R
C = 512

NC = 2
NS = 16
NW = NC * NS
TOK_W = T // NW
CH = 32


def _router_body(x_ref, wg_ref, meta_ref, blk_ref, oh_scr, rank_scr):
    x = x_ref[...]
    wg = wg_ref[...]
    logits = lax.dot_general(x, wg, (((1,), (1,)), ((), ())),
                             preferred_element_type=jnp.float32)
    lane = lax.broadcasted_iota(jnp.int32, (T, E), 1)
    m1 = jnp.max(logits, axis=1, keepdims=True)
    e0 = jnp.min(jnp.where(logits == m1, lane, E), axis=1, keepdims=True)
    logits2 = jnp.where(lane == e0, -jnp.inf, logits)
    m2 = jnp.max(logits2, axis=1, keepdims=True)
    e1 = jnp.min(jnp.where(logits2 == m2, lane, E), axis=1, keepdims=True)
    w0 = 1.0 / (1.0 + jnp.exp(m2 - m1))
    w1 = 1.0 - w0

    oh0 = (lane == e0).astype(jnp.float32)
    oh1 = (lane == e1).astype(jnp.float32)
    oh_scr[pl.ds(0, T), :] = oh0
    oh_scr[pl.ds(T, T), :] = oh1

    tri = (lax.broadcasted_iota(jnp.int32, (C, C), 0)
           >= lax.broadcasted_iota(jnp.int32, (C, C), 1)).astype(jnp.float32)

    def chunk(c, carry):
        blkv = oh_scr[pl.ds(c * C, C), :]
        inc = lax.dot_general(tri, blkv, (((1,), (0,)), ((), ())),
                              preferred_element_type=jnp.float32)
        rank_scr[pl.ds(c * C, C), :] = inc + carry
        return carry + inc[C - 1:C, :]

    counts = lax.fori_loop(0, (2 * T) // C, chunk,
                           jnp.zeros((1, E), jnp.float32))

    nblk = jnp.ceil(counts / R)
    er = lax.broadcasted_iota(jnp.int32, (E, E), 0)
    ec = lax.broadcasted_iota(jnp.int32, (E, E), 1)
    m_lt = (er < ec).astype(jnp.float32)
    m_le = (er <= ec).astype(jnp.float32)
    pad_base = lax.dot_general(nblk, m_lt, (((1,), (0,)), ((), ())),
                               preferred_element_type=jnp.float32) * R
    cum_incl = lax.dot_general(nblk, m_le, (((1,), (0,)), ((), ())),
                               preferred_element_type=jnp.float32)
    total_blocks = cum_incl[:, E - 1:E]

    rank0 = rank_scr[pl.ds(0, T), :]
    rank1 = rank_scr[pl.ds(T, T), :]
    slot0 = jnp.sum(oh0 * (rank0 - 1.0 + pad_base), axis=1, keepdims=True)
    slot1 = jnp.sum(oh1 * (rank1 - 1.0 + pad_base), axis=1, keepdims=True)

    lane128 = lax.broadcasted_iota(jnp.int32, (T, 128), 1)
    meta = jnp.where(lane128 == 0, slot0,
                     jnp.where(lane128 == 1, slot1,
                               jnp.where(lane128 == 2, w0, w1)))
    meta_ref[...] = meta

    gidx = lax.broadcasted_iota(jnp.int32, (64, E), 0).astype(jnp.float32)
    bexp = jnp.sum((gidx >= cum_incl).astype(jnp.float32), axis=1,
                   keepdims=True)
    bexp = jnp.minimum(bexp, float(E - 1))
    row = lax.broadcasted_iota(jnp.int32, (64, 1), 0)
    vals = jnp.where(row == G, total_blocks, bexp)
    blk_ref[...] = jnp.broadcast_to(vals, (64, 128)).astype(jnp.int32)


def _dispatch_body(x_hbm, slots_hbm, xs_hbm, idx0_v, idx1_v, rows_v,
                   sem0, sem1):
    wid = lax.axis_index("s") * NC + lax.axis_index("c")
    base = wid * TOK_W

    def chunk(c, carry):
        t0 = base + c * CH
        pltpu.sync_copy(slots_hbm.at[pl.ds(t0, CH)], idx0_v)
        pltpu.sync_copy(slots_hbm.at[pl.ds(T + t0, CH)], idx1_v)
        pltpu.sync_copy(x_hbm.at[pl.ds(t0, CH)], rows_v)
        cp0 = pltpu.async_copy(rows_v, xs_hbm.at[idx0_v], sem0)
        cp1 = pltpu.async_copy(rows_v, xs_hbm.at[idx1_v], sem1)
        cp0.wait()
        cp1.wait()
        return carry

    lax.fori_loop(0, TOK_W // CH, chunk, 0)


def _ffn_body(pref_ref, xs_ref, wgu_ref, wd_ref, ys_ref):
    g = pl.program_id(0)
    nb = pref_ref[G]

    @pl.when(g < nb)
    def _():
        x = xs_ref[...]
        wgu = wgu_ref[0]
        gu = lax.dot_general(x, wgu, (((1,), (1,)), ((), ())),
                             preferred_element_type=jnp.float32)
        gate = gu[:, :F]
        up = gu[:, F:]
        h = gate * (1.0 / (1.0 + jnp.exp(-gate))) * up
        wd = wd_ref[0]
        ys_ref[...] = lax.dot_general(h, wd, (((1,), (1,)), ((), ())),
                                      preferred_element_type=jnp.float32)


def _gather_body(ys_hbm, slots_hbm, y0_hbm, y1_hbm, idx0_v, idx1_v,
                 r0_v, r1_v, sem0, sem1):
    wid = lax.axis_index("s") * NC + lax.axis_index("c")
    base = wid * TOK_W

    def chunk(c, carry):
        t0 = base + c * CH
        pltpu.sync_copy(slots_hbm.at[pl.ds(t0, CH)], idx0_v)
        pltpu.sync_copy(slots_hbm.at[pl.ds(T + t0, CH)], idx1_v)
        cp0 = pltpu.async_copy(ys_hbm.at[idx0_v], r0_v, sem0)
        cp1 = pltpu.async_copy(ys_hbm.at[idx1_v], r1_v, sem1)
        cp0.wait()
        cp1.wait()
        pltpu.sync_copy(r0_v, y0_hbm.at[pl.ds(t0, CH)])
        pltpu.sync_copy(r1_v, y1_hbm.at[pl.ds(t0, CH)])
        return carry

    lax.fori_loop(0, TOK_W // CH, chunk, 0)


def _combine_body(y0_ref, y1_ref, meta_ref, out_ref):
    w0 = meta_ref[:, 2:3]
    w1 = meta_ref[:, 3:4]
    out_ref[...] = y0_ref[...] * w0 + y1_ref[...] * w1


def kernel(hidden_states, Wg, Wgu, Wd):
    x = hidden_states

    meta, blk = pl.pallas_call(
        _router_body,
        out_shape=[
            jax.ShapeDtypeStruct((T, 128), jnp.float32),
            jax.ShapeDtypeStruct((64, 128), jnp.int32),
        ],
        scratch_shapes=[
            pltpu.VMEM((2 * T, E), jnp.float32),
            pltpu.VMEM((2 * T, E), jnp.float32),
        ],
    )(x, Wg)

    slots = jnp.concatenate([meta[:, 0], meta[:, 1]]).astype(jnp.int32)
    prefetch = blk[:G + 1, 0]

    mesh = plsc.VectorSubcoreMesh(core_axis_name="c", subcore_axis_name="s")

    xs = pl.kernel(
        _dispatch_body,
        out_type=jax.ShapeDtypeStruct((S, D), jnp.float32),
        mesh=mesh,
        scratch_types=[
            pltpu.VMEM((CH,), jnp.int32),
            pltpu.VMEM((CH,), jnp.int32),
            pltpu.VMEM((CH, D), jnp.float32),
            pltpu.SemaphoreType.DMA,
            pltpu.SemaphoreType.DMA,
        ],
    )(x, slots)

    grid_spec = pltpu.PrefetchScalarGridSpec(
        num_scalar_prefetch=1,
        grid=(G,),
        in_specs=[
            pl.BlockSpec((R, D), lambda g, pref: (g, 0)),
            pl.BlockSpec((1, 2 * F, D),
                         lambda g, pref: (pref[jnp.minimum(g, pref[G] - 1)],
                                          0, 0)),
            pl.BlockSpec((1, D, F),
                         lambda g, pref: (pref[jnp.minimum(g, pref[G] - 1)],
                                          0, 0)),
        ],
        out_specs=pl.BlockSpec((R, D), lambda g, pref: (g, 0)),
    )
    ys = pl.pallas_call(
        _ffn_body,
        grid_spec=grid_spec,
        out_shape=jax.ShapeDtypeStruct((S, D), jnp.float32),
        compiler_params=pltpu.CompilerParams(
            dimension_semantics=("arbitrary",)),
    )(prefetch, xs, Wgu, Wd)

    y0, y1 = pl.kernel(
        _gather_body,
        out_type=[
            jax.ShapeDtypeStruct((T, D), jnp.float32),
            jax.ShapeDtypeStruct((T, D), jnp.float32),
        ],
        mesh=mesh,
        scratch_types=[
            pltpu.VMEM((CH,), jnp.int32),
            pltpu.VMEM((CH,), jnp.int32),
            pltpu.VMEM((CH, D), jnp.float32),
            pltpu.VMEM((CH, D), jnp.float32),
            pltpu.SemaphoreType.DMA,
            pltpu.SemaphoreType.DMA,
        ],
    )(ys, slots)

    TB = 512
    out = pl.pallas_call(
        _combine_body,
        grid=(T // TB,),
        in_specs=[
            pl.BlockSpec((TB, D), lambda i: (i, 0)),
            pl.BlockSpec((TB, D), lambda i: (i, 0)),
            pl.BlockSpec((TB, 128), lambda i: (i, 0)),
        ],
        out_specs=pl.BlockSpec((TB, D), lambda i: (i, 0)),
        out_shape=jax.ShapeDtypeStruct((T, D), jnp.float32),
    )(y0, y1, meta)
    return out

# --- scband reference (transcript-rebuilt; emitter-appended) ---
"""Pipeline reference for scband-qwen3-moe-sparse-moe-block-1090921693845 (READ-ONLY COPY).

The authoritative reference and input builder live on the scoring server;
editing this copy changes nothing except your own understanding.
"""

import jax, jax.numpy as jnp
import numpy as np

NUM_EXPERTS = 16
TOP_K = 2
D_MODEL = 1024
D_FF = 768
NUM_TOKENS = 4096
NORM_TOPK_PROB = True


def setup_inputs(seed: int = 0) -> dict:
    key = jax.random.key(seed)
    k0, k1, k2, k3 = jax.random.split(key, 4)
    hidden_states = jax.random.normal(k0, (NUM_TOKENS, D_MODEL), dtype=jnp.float32)
    # gate: Linear(d_model -> num_experts), no bias
    Wg = jax.random.normal(k1, (NUM_EXPERTS, D_MODEL), dtype=jnp.float32) * 0.02
    # per-expert fused gate_proj+up_proj: Linear(d_model -> 2*d_ff), no bias
    Wgu = jax.random.normal(k2, (NUM_EXPERTS, 2 * D_FF, D_MODEL), dtype=jnp.float32) * 0.02
    # per-expert down_proj: Linear(d_ff -> d_model), no bias
    Wd = jax.random.normal(k3, (NUM_EXPERTS, D_MODEL, D_FF), dtype=jnp.float32) * 0.02
    return {"hidden_states": hidden_states, "Wg": Wg, "Wgu": Wgu, "Wd": Wd}


def reference(hidden_states, Wg, Wgu, Wd):
    T, hidden_dim = hidden_states.shape
    # router
    router_logits = hidden_states @ Wg.T  # [T, E]
    routing_weights_full = jax.nn.softmax(router_logits, axis=1)
    routing_weights, selected_experts = jax.lax.top_k(routing_weights_full, TOP_K)  # [T, k]
    if NORM_TOPK_PROB:
        routing_weights = routing_weights / jnp.sum(routing_weights, axis=-1, keepdims=True)
    final_hidden_states = jnp.zeros_like(hidden_states)
    for expert_idx in range(NUM_EXPERTS):
        mask = selected_experts == expert_idx  # [T, k]
        # each token selects a given expert at most once (top_k indices are distinct)
        weight = jnp.sum(jnp.where(mask, routing_weights, 0.0), axis=-1)  # [T]
        gate_up = hidden_states @ Wgu[expert_idx].T  # [T, 2*d_ff]
        gate = gate_up[:, :D_FF]
        up = gate_up[:, D_FF:]
        h = (jax.nn.silu(gate) * up) @ Wd[expert_idx].T  # [T, d]
        h = h * weight[:, None]
        final_hidden_states = final_hidden_states + h
    return final_hidden_states

if __name__ == "__main__":
    import jax
    _d = setup_inputs()
    print(jax.jit(kernel)(*tuple(_d.values())))

</pallas_src>

<mosaic_0001>
#map = affine_map<(d0, d1) -> (0, 0)>
#map1 = affine_map<(d0, d1) -> (0)>
module attributes {stable_mosaic.version = 14 : i64} {
  func.func @_gather_body(%arg0: i32, %arg1: i32, %arg2: memref<12288x1024xf32, #tpu.memory_space<hbm>>, %arg3: memref<8192xi32, #tpu.memory_space<hbm>>, %arg4: memref<4096x1024xf32, #tpu.memory_space<hbm>>, %arg5: memref<4096x1024xf32, #tpu.memory_space<hbm>>, %arg6: memref<32xi32, #tpu.memory_space<vmem>>, %arg7: memref<32xi32, #tpu.memory_space<vmem>>, %arg8: memref<32x1024xf32, #tpu.memory_space<vmem>>, %arg9: memref<32x1024xf32, #tpu.memory_space<vmem>>, %arg10: memref<!tpu.dma_semaphore, #tpu.memory_space<semaphore_mem>>, %arg11: memref<!tpu.dma_semaphore, #tpu.memory_space<semaphore_mem>>) attributes {dimension_semantics = [#tpu.dimension_semantics<core_parallel>, #tpu.dimension_semantics<subcore_parallel>], iteration_bounds = array<i64: 2, 16>, scalar_prefetch = 0 : i64, scratch_operands = 6 : i64, tpu.core_type = #tpu.core_type<sc_vector_subcore>, window_params = [{transform_indices = #map}, {transform_indices = #map1}, {transform_indices = #map}, {transform_indices = #map}]} {
    %mul3A = arith.constant 2 : i32
    %mul3A_0 = arith.muli %arg1, %mul3A : i32
    %add3A = arith.addi %mul3A_0, %arg0 : i32
    %mul3A_1 = arith.constant 128 : i32
    %mul3A_2 = arith.muli %add3A, %mul3A_1 : i32
    %scan3A = arith.constant 0 : i32
    %scan3A_3 = arith.constant 0 : i32
    %scan3A_4 = arith.constant 4 : i32
    %scan3A_5 = arith.addi %scan3A_3, %scan3A_4 : i32
    %scan3A_6 = arith.constant 1 : i32
    scf.for %scan3A_8 = %scan3A_3 to %scan3A_5 step %scan3A_6  : i32 {
      %mul3A_9 = arith.constant 32 : i32
      %mul3A_10 = arith.muli %scan3A_8, %mul3A_9 : i32
      %add3A_11 = arith.addi %mul3A_2, %mul3A_10 : i32
      "tpu.region"() ({
        %run_scoped3A = tpu.sem_alloc : memref<!tpu.dma_semaphore, #tpu.memory_space<semaphore_mem>>
        %dma_start3A_24 = tpu.memref_slice %arg3[%add3A_11] : memref<8192xi32, #tpu.memory_space<hbm>> -> memref<32xi32, #tpu.memory_space<hbm>>
        %dma_start3A_25 = tpu.memref_slice %arg3[%add3A_11] : memref<8192xi32, #tpu.memory_space<hbm>> -> memref<32xi32, #tpu.memory_space<hbm>>
        tpu.enqueue_dma source(%dma_start3A_25 : memref<32xi32, #tpu.memory_space<hbm>>) target(%arg6 : memref<32xi32, #tpu.memory_space<vmem>>) target_semaphore(%run_scoped3A : memref<!tpu.dma_semaphore, #tpu.memory_space<semaphore_mem>>)
        %dma_wait3A_26 = tpu.memref_slice %arg3[%add3A_11] : memref<8192xi32, #tpu.memory_space<hbm>> -> memref<32xi32, #tpu.memory_space<hbm>>
        %dma_wait3A_27 = tpu.memref_slice %arg3[%add3A_11] : memref<8192xi32, #tpu.memory_space<hbm>> -> memref<32xi32, #tpu.memory_space<hbm>>
        tpu.wait_dma2 semaphore(%run_scoped3A : memref<!tpu.dma_semaphore, #tpu.memory_space<semaphore_mem>>) src(%dma_wait3A_27 : memref<32xi32, #tpu.memory_space<hbm>>) dst(%arg6 : memref<32xi32, #tpu.memory_space<vmem>>)
        tpu.yield
      }) : () -> ()
      %add3A_12 = arith.constant 4096 : i32
      %add3A_13 = arith.addi %add3A_12, %add3A_11 : i32
      "tpu.region"() ({
        %run_scoped3A = tpu.sem_alloc : memref<!tpu.dma_semaphore, #tpu.memory_space<semaphore_mem>>
        %dma_start3A_24 = tpu.memref_slice %arg3[%add3A_13] : memref<8192xi32, #tpu.memory_space<hbm>> -> memref<32xi32, #tpu.memory_space<hbm>>
        %dma_start3A_25 = tpu.memref_slice %arg3[%add3A_13] : memref<8192xi32, #tpu.memory_space<hbm>> -> memref<32xi32, #tpu.memory_space<hbm>>
        tpu.enqueue_dma source(%dma_start3A_25 : memref<32xi32, #tpu.memory_space<hbm>>) target(%arg7 : memref<32xi32, #tpu.memory_space<vmem>>) target_semaphore(%run_scoped3A : memref<!tpu.dma_semaphore, #tpu.memory_space<semaphore_mem>>)
        %dma_wait3A_26 = tpu.memref_slice %arg3[%add3A_13] : memref<8192xi32, #tpu.memory_space<hbm>> -> memref<32xi32, #tpu.memory_space<hbm>>
        %dma_wait3A_27 = tpu.memref_slice %arg3[%add3A_13] : memref<8192xi32, #tpu.memory_space<hbm>> -> memref<32xi32, #tpu.memory_space<hbm>>
        tpu.wait_dma2 semaphore(%run_scoped3A : memref<!tpu.dma_semaphore, #tpu.memory_space<semaphore_mem>>) src(%dma_wait3A_27 : memref<32xi32, #tpu.memory_space<hbm>>) dst(%arg7 : memref<32xi32, #tpu.memory_space<vmem>>)
        tpu.yield
      }) : () -> ()
      %dma_start3A = arith.constant 0 : i32
      %dma_start3A_14 = arith.constant 0 : i32
      %dma_start3A_15 = tpu.memref_slice %arg2[%dma_start3A, %dma_start3A_14] : memref<12288x1024xf32, #tpu.memory_space<hbm>> -> memref<12288x1024xf32, #tpu.memory_space<hbm>>
      tpu.enqueue_indirect_dma source(%dma_start3A_15 : memref<12288x1024xf32, #tpu.memory_space<hbm>>) target(%arg8 : memref<32x1024xf32, #tpu.memory_space<vmem>>) offsets(%arg6 : memref<32xi32, #tpu.memory_space<vmem>>) semaphore(%arg10 : memref<!tpu.dma_semaphore, #tpu.memory_space<semaphore_mem>>)
      %dma_start3A_16 = arith.constant 0 : i32
      %dma_start3A_17 = arith.constant 0 : i32
      %dma_start3A_18 = tpu.memref_slice %arg2[%dma_start3A_16, %dma_start3A_17] : memref<12288x1024xf32, #tpu.memory_space<hbm>> -> memref<12288x1024xf32, #tpu.memory_space<hbm>>
      tpu.enqueue_indirect_dma source(%dma_start3A_18 : memref<12288x1024xf32, #tpu.memory_space<hbm>>) target(%arg9 : memref<32x1024xf32, #tpu.memory_space<vmem>>) offsets(%arg7 : memref<32xi32, #tpu.memory_space<vmem>>) semaphore(%arg11 : memref<!tpu.dma_semaphore, #tpu.memory_space<semaphore_mem>>)
      %dma_wait3A = arith.constant 0 : i32
      %dma_wait3A_19 = arith.constant 0 : i32
      %dma_wait3A_20 = tpu.memref_slice %arg2[%dma_wait3A, %dma_wait3A_19] : memref<12288x1024xf32, #tpu.memory_space<hbm>> -> memref<12288x1024xf32, #tpu.memory_space<hbm>>
      tpu.wait_indirect_dma semaphore(%arg10 : memref<!tpu.dma_semaphore, #tpu.memory_space<semaphore_mem>>) src(%dma_wait3A_20 : memref<12288x1024xf32, #tpu.memory_space<hbm>>) dst(%arg8 : memref<32x1024xf32, #tpu.memory_space<vmem>>)
      %dma_wait3A_21 = arith.constant 0 : i32
      %dma_wait3A_22 = arith.constant 0 : i32
      %dma_wait3A_23 = tpu.memref_slice %arg2[%dma_wait3A_21, %dma_wait3A_22] : memref<12288x1024xf32, #tpu.memory_space<hbm>> -> memref<12288x1024xf32, #tpu.memory_space<hbm>>
      tpu.wait_indirect_dma semaphore(%arg11 : memref<!tpu.dma_semaphore, #tpu.memory_space<semaphore_mem>>) src(%dma_wait3A_23 : memref<12288x1024xf32, #tpu.memory_space<hbm>>) dst(%arg9 : memref<32x1024xf32, #tpu.memory_space<vmem>>)
      "tpu.region"() ({
        %run_scoped3A = tpu.sem_alloc : memref<!tpu.dma_semaphore, #tpu.memory_space<semaphore_mem>>
        %dma_start3A_24 = arith.constant 0 : i32
        %dma_start3A_25 = tpu.memref_slice %arg4[%add3A_11, %dma_start3A_24] : memref<4096x1024xf32, #tpu.memory_space<hbm>> -> memref<32x1024xf32, #tpu.memory_space<hbm>>
        %dma_start3A_26 = arith.constant 0 : i32
        %dma_start3A_27 = tpu.memref_slice %arg4[%add3A_11, %dma_start3A_26] : memref<4096x1024xf32, #tpu.memory_space<hbm>> -> memref<32x1024xf32, #tpu.memory_space<hbm>>
        tpu.enqueue_dma source(%arg8 : memref<32x1024xf32, #tpu.memory_space<vmem>>) target(%dma_start3A_27 : memref<32x1024xf32, #tpu.memory_space<hbm>>) target_semaphore(%run_scoped3A : memref<!tpu.dma_semaphore, #tpu.memory_space<semaphore_mem>>)
        %dma_wait3A_28 = arith.constant 0 : i32
        %dma_wait3A_29 = tpu.memref_slice %arg4[%add3A_11, %dma_wait3A_28] : memref<4096x1024xf32, #tpu.memory_space<hbm>> -> memref<32x1024xf32, #tpu.memory_space<hbm>>
        %dma_wait3A_30 = arith.constant 0 : i32
        %dma_wait3A_31 = tpu.memref_slice %arg4[%add3A_11, %dma_wait3A_30] : memref<4096x1024xf32, #tpu.memory_space<hbm>> -> memref<32x1024xf32, #tpu.memory_space<hbm>>
        tpu.wait_dma2 semaphore(%run_scoped3A : memref<!tpu.dma_semaphore, #tpu.memory_space<semaphore_mem>>) src(%arg8 : memref<32x1024xf32, #tpu.memory_space<vmem>>) dst(%dma_wait3A_31 : memref<32x1024xf32, #tpu.memory_space<hbm>>)
        tpu.yield
      }) : () -> ()
      "tpu.region"() ({
        %run_scoped3A = tpu.sem_alloc : memref<!tpu.dma_semaphore, #tpu.memory_space<semaphore_mem>>
        %dma_start3A_24 = arith.constant 0 : i32
        %dma_start3A_25 = tpu.memref_slice %arg5[%add3A_11, %dma_start3A_24] : memref<4096x1024xf32, #tpu.memory_space<hbm>> -> memref<32x1024xf32, #tpu.memory_space<hbm>>
        %dma_start3A_26 = arith.constant 0 : i32
        %dma_start3A_27 = tpu.memref_slice %arg5[%add3A_11, %dma_start3A_26] : memref<4096x1024xf32, #tpu.memory_space<hbm>> -> memref<32x1024xf32, #tpu.memory_space<hbm>>
        tpu.enqueue_dma source(%arg9 : memref<32x1024xf32, #tpu.memory_space<vmem>>) target(%dma_start3A_27 : memref<32x1024xf32, #tpu.memory_space<hbm>>) target_semaphore(%run_scoped3A : memref<!tpu.dma_semaphore, #tpu.memory_space<semaphore_mem>>)
        %dma_wait3A_28 = arith.constant 0 : i32
        %dma_wait3A_29 = tpu.memref_slice %arg5[%add3A_11, %dma_wait3A_28] : memref<4096x1024xf32, #tpu.memory_space<hbm>> -> memref<32x1024xf32, #tpu.memory_space<hbm>>
        %dma_wait3A_30 = arith.constant 0 : i32
        %dma_wait3A_31 = tpu.memref_slice %arg5[%add3A_11, %dma_wait3A_30] : memref<4096x1024xf32, #tpu.memory_space<hbm>> -> memref<32x1024xf32, #tpu.memory_space<hbm>>
        tpu.wait_dma2 semaphore(%run_scoped3A : memref<!tpu.dma_semaphore, #tpu.memory_space<semaphore_mem>>) src(%arg9 : memref<32x1024xf32, #tpu.memory_space<vmem>>) dst(%dma_wait3A_31 : memref<32x1024xf32, #tpu.memory_space<hbm>>)
        tpu.yield
      }) : () -> ()
    }
    %scan3A_7 = arith.constant 4 : i32
    return
  }
}

#map = affine_map<(d0, d1) -> (0, 0)>
#map1 = affine_map<(d0, d1) -> (0)>
module attributes {stable_mosaic.version = 14 : i64} {
  func.func @_dispatch_body(%arg0: i32, %arg1: i32, %arg2: memref<4096x1024xf32, #tpu.memory_space<hbm>>, %arg3: memref<8192xi32, #tpu.memory_space<hbm>>, %arg4: memref<12288x1024xf32, #tpu.memory_space<hbm>>, %arg5: memref<32xi32, #tpu.memory_space<vmem>>, %arg6: memref<32xi32, #tpu.memory_space<vmem>>, %arg7: memref<32x1024xf32, #tpu.memory_space<vmem>>, %arg8: memref<!tpu.dma_semaphore, #tpu.memory_space<semaphore_mem>>, %arg9: memref<!tpu.dma_semaphore, #tpu.memory_space<semaphore_mem>>) attributes {dimension_semantics = [#tpu.dimension_semantics<core_parallel>, #tpu.dimension_semantics<subcore_parallel>], iteration_bounds = array<i64: 2, 16>, scalar_prefetch = 0 : i64, scratch_operands = 5 : i64, tpu.core_type = #tpu.core_type<sc_vector_subcore>, window_params = [{transform_indices = #map}, {transform_indices = #map1}, {transform_indices = #map}]} {
    %mul3A = arith.constant 2 : i32
    %mul3A_0 = arith.muli %arg1, %mul3A : i32
    %add3A = arith.addi %mul3A_0, %arg0 : i32
    %mul3A_1 = arith.constant 128 : i32
    %mul3A_2 = arith.muli %add3A, %mul3A_1 : i32
    %scan3A = arith.constant 0 : i32
    %scan3A_3 = arith.constant 0 : i32
    %scan3A_4 = arith.constant 4 : i32
    %scan3A_5 = arith.addi %scan3A_3, %scan3A_4 : i32
    %scan3A_6 = arith.constant 1 : i32
    scf.for %scan3A_8 = %scan3A_3 to %scan3A_5 step %scan3A_6  : i32 {
      %mul3A_9 = arith.constant 32 : i32
      %mul3A_10 = arith.muli %scan3A_8, %mul3A_9 : i32
      %add3A_11 = arith.addi %mul3A_2, %mul3A_10 : i32
      "tpu.region"() ({
        %run_scoped3A = tpu.sem_alloc : memref<!tpu.dma_semaphore, #tpu.memory_space<semaphore_mem>>
        %dma_start3A_24 = tpu.memref_slice %arg3[%add3A_11] : memref<8192xi32, #tpu.memory_space<hbm>> -> memref<32xi32, #tpu.memory_space<hbm>>
        %dma_start3A_25 = tpu.memref_slice %arg3[%add3A_11] : memref<8192xi32, #tpu.memory_space<hbm>> -> memref<32xi32, #tpu.memory_space<hbm>>
        tpu.enqueue_dma source(%dma_start3A_25 : memref<32xi32, #tpu.memory_space<hbm>>) target(%arg5 : memref<32xi32, #tpu.memory_space<vmem>>) target_semaphore(%run_scoped3A : memref<!tpu.dma_semaphore, #tpu.memory_space<semaphore_mem>>)
        %dma_wait3A_26 = tpu.memref_slice %arg3[%add3A_11] : memref<8192xi32, #tpu.memory_space<hbm>> -> memref<32xi32, #tpu.memory_space<hbm>>
        %dma_wait3A_27 = tpu.memref_slice %arg3[%add3A_11] : memref<8192xi32, #tpu.memory_space<hbm>> -> memref<32xi32, #tpu.memory_space<hbm>>
        tpu.wait_dma2 semaphore(%run_scoped3A : memref<!tpu.dma_semaphore, #tpu.memory_space<semaphore_mem>>) src(%dma_wait3A_27 : memref<32xi32, #tpu.memory_space<hbm>>) dst(%arg5 : memref<32xi32, #tpu.memory_space<vmem>>)
        tpu.yield
      }) : () -> ()
      %add3A_12 = arith.constant 4096 : i32
      %add3A_13 = arith.addi %add3A_12, %add3A_11 : i32
      "tpu.region"() ({
        %run_scoped3A = tpu.sem_alloc : memref<!tpu.dma_semaphore, #tpu.memory_space<semaphore_mem>>
        %dma_start3A_24 = tpu.memref_slice %arg3[%add3A_13] : memref<8192xi32, #tpu.memory_space<hbm>> -> memref<32xi32, #tpu.memory_space<hbm>>
        %dma_start3A_25 = tpu.memref_slice %arg3[%add3A_13] : memref<8192xi32, #tpu.memory_space<hbm>> -> memref<32xi32, #tpu.memory_space<hbm>>
        tpu.enqueue_dma source(%dma_start3A_25 : memref<32xi32, #tpu.memory_space<hbm>>) target(%arg6 : memref<32xi32, #tpu.memory_space<vmem>>) target_semaphore(%run_scoped3A : memref<!tpu.dma_semaphore, #tpu.memory_space<semaphore_mem>>)
        %dma_wait3A_26 = tpu.memref_slice %arg3[%add3A_13] : memref<8192xi32, #tpu.memory_space<hbm>> -> memref<32xi32, #tpu.memory_space<hbm>>
        %dma_wait3A_27 = tpu.memref_slice %arg3[%add3A_13] : memref<8192xi32, #tpu.memory_space<hbm>> -> memref<32xi32, #tpu.memory_space<hbm>>
        tpu.wait_dma2 semaphore(%run_scoped3A : memref<!tpu.dma_semaphore, #tpu.memory_space<semaphore_mem>>) src(%dma_wait3A_27 : memref<32xi32, #tpu.memory_space<hbm>>) dst(%arg6 : memref<32xi32, #tpu.memory_space<vmem>>)
        tpu.yield
      }) : () -> ()
      "tpu.region"() ({
        %run_scoped3A = tpu.sem_alloc : memref<!tpu.dma_semaphore, #tpu.memory_space<semaphore_mem>>
        %dma_start3A_24 = arith.constant 0 : i32
        %dma_start3A_25 = tpu.memref_slice %arg2[%add3A_11, %dma_start3A_24] : memref<4096x1024xf32, #tpu.memory_space<hbm>> -> memref<32x1024xf32, #tpu.memory_space<hbm>>
        %dma_start3A_26 = arith.constant 0 : i32
        %dma_start3A_27 = tpu.memref_slice %arg2[%add3A_11, %dma_start3A_26] : memref<4096x1024xf32, #tpu.memory_space<hbm>> -> memref<32x1024xf32, #tpu.memory_space<hbm>>
        tpu.enqueue_dma source(%dma_start3A_27 : memref<32x1024xf32, #tpu.memory_space<hbm>>) target(%arg7 : memref<32x1024xf32, #tpu.memory_space<vmem>>) target_semaphore(%run_scoped3A : memref<!tpu.dma_semaphore, #tpu.memory_space<semaphore_mem>>)
        %dma_wait3A_28 = arith.constant 0 : i32
        %dma_wait3A_29 = tpu.memref_slice %arg2[%add3A_11, %dma_wait3A_28] : memref<4096x1024xf32, #tpu.memory_space<hbm>> -> memref<32x1024xf32, #tpu.memory_space<hbm>>
        %dma_wait3A_30 = arith.constant 0 : i32
        %dma_wait3A_31 = tpu.memref_slice %arg2[%add3A_11, %dma_wait3A_30] : memref<4096x1024xf32, #tpu.memory_space<hbm>> -> memref<32x1024xf32, #tpu.memory_space<hbm>>
        tpu.wait_dma2 semaphore(%run_scoped3A : memref<!tpu.dma_semaphore, #tpu.memory_space<semaphore_mem>>) src(%dma_wait3A_31 : memref<32x1024xf32, #tpu.memory_space<hbm>>) dst(%arg7 : memref<32x1024xf32, #tpu.memory_space<vmem>>)
        tpu.yield
      }) : () -> ()
      %dma_start3A = arith.constant 0 : i32
      %dma_start3A_14 = arith.constant 0 : i32
      %dma_start3A_15 = tpu.memref_slice %arg4[%dma_start3A, %dma_start3A_14] : memref<12288x1024xf32, #tpu.memory_space<hbm>> -> memref<12288x1024xf32, #tpu.memory_space<hbm>>
      tpu.enqueue_indirect_dma source(%arg7 : memref<32x1024xf32, #tpu.memory_space<vmem>>) target(%dma_start3A_15 : memref<12288x1024xf32, #tpu.memory_space<hbm>>) offsets(%arg5 : memref<32xi32, #tpu.memory_space<vmem>>) semaphore(%arg8 : memref<!tpu.dma_semaphore, #tpu.memory_space<semaphore_mem>>)
      %dma_start3A_16 = arith.constant 0 : i32
      %dma_start3A_17 = arith.constant 0 : i32
      %dma_start3A_18 = tpu.memref_slice %arg4[%dma_start3A_16, %dma_start3A_17] : memref<12288x1024xf32, #tpu.memory_space<hbm>> -> memref<12288x1024xf32, #tpu.memory_space<hbm>>
      tpu.enqueue_indirect_dma source(%arg7 : memref<32x1024xf32, #tpu.memory_space<vmem>>) target(%dma_start3A_18 : memref<12288x1024xf32, #tpu.memory_space<hbm>>) offsets(%arg6 : memref<32xi32, #tpu.memory_space<vmem>>) semaphore(%arg9 : memref<!tpu.dma_semaphore, #tpu.memory_space<semaphore_mem>>)
      %dma_wait3A = arith.constant 0 : i32
      %dma_wait3A_19 = arith.constant 0 : i32
      %dma_wait3A_20 = tpu.memref_slice %arg4[%dma_wait3A, %dma_wait3A_19] : memref<12288x1024xf32, #tpu.memory_space<hbm>> -> memref<12288x1024xf32, #tpu.memory_space<hbm>>
      tpu.wait_indirect_dma semaphore(%arg8 : memref<!tpu.dma_semaphore, #tpu.memory_space<semaphore_mem>>) src(%arg7 : memref<32x1024xf32, #tpu.memory_space<vmem>>) dst(%dma_wait3A_20 : memref<12288x1024xf32, #tpu.memory_space<hbm>>)
      %dma_wait3A_21 = arith.constant 0 : i32
      %dma_wait3A_22 = arith.constant 0 : i32
      %dma_wait3A_23 = tpu.memref_slice %arg4[%dma_wait3A_21, %dma_wait3A_22] : memref<12288x1024xf32, #tpu.memory_space<hbm>> -> memref<12288x1024xf32, #tpu.memory_space<hbm>>
      tpu.wait_indirect_dma semaphore(%arg9 : memref<!tpu.dma_semaphore, #tpu.memory_space<semaphore_mem>>) src(%arg7 : memref<32x1024xf32, #tpu.memory_space<vmem>>) dst(%dma_wait3A_23 : memref<12288x1024xf32, #tpu.memory_space<hbm>>)
    }
    %scan3A_7 = arith.constant 4 : i32
    return
  }
}

module attributes {stable_mosaic.version = 14 : i64} {
  func.func @_ffn_body(%arg0: i32, %arg1: memref<49xi32, #tpu.memory_space<smem>>, %arg2: memref<256x1024xf32, #tpu.memory_space<vmem>>, %arg3: memref<1x1536x1024xf32, #tpu.memory_space<vmem>>, %arg4: memref<1x1024x768xf32, #tpu.memory_space<vmem>>, %arg5: memref<256x1024xf32, #tpu.memory_space<vmem>>) attributes {dimension_semantics = [#tpu.dimension_semantics<arbitrary>], iteration_bounds = array<i64: 48>, scalar_prefetch = 1 : i64, scratch_operands = 0 : i64, tpu.core_type = #tpu.core_type<tc>, window_params = [{transform_indices = @transform_0, window_bounds = array<i64: 256, 1024>}, {transform_indices = @transform_1, window_bounds = array<i64: 1, 1536, 1024>}, {transform_indices = @transform_2, window_bounds = array<i64: 1, 1024, 768>}, {transform_indices = @transform_3, window_bounds = array<i64: 256, 1024>}]} {
    %get3A = arith.constant 48 : index
    %get3A_0 = memref.load %arg1[%get3A] : memref<49xi32, #tpu.memory_space<smem>>
    %lt3A = arith.cmpi slt, %arg0, %get3A_0 : i32
    %convert_element_type3A = arith.extui %lt3A : i1 to i32
    %cond3A = arith.constant 0 : i32
    %cond3A_1 = arith.cmpi ne, %convert_element_type3A, %cond3A : i32
    scf.if %cond3A_1 {
      %get3A_2 = arith.constant 0 : index
      %get3A_3 = arith.constant 0 : index
      %get3A_4 = vector.load %arg2[%get3A_2, %get3A_3] : memref<256x1024xf32, #tpu.memory_space<vmem>>, vector<256x1024xf32>
      %get3A_5 = arith.constant 0 : index
      %get3A_6 = arith.constant 0 : index
      %get3A_7 = arith.constant 0 : index
      %get3A_8 = vector.load %arg3[%get3A_5, %get3A_6, %get3A_7] : memref<1x1536x1024xf32, #tpu.memory_space<vmem>>, vector<1x1536x1024xf32>
      %get3A_9 = vector.shape_cast %get3A_8 : vector<1x1536x1024xf32> to vector<1536x1024xf32>
      %dot_general3A = arith.constant dense<0.000000e+00> : vector<256x1536xf32>
      %dot_general3A_10 = tpu.matmul %get3A_4, %get3A_9, %dot_general3A {dimension_numbers = #tpu.dot_dimension_numbers<[1], [1], [0], [0], [0, 0, 1, 0], [], []>, transpose_lhs_hint = false} : vector<256x1024xf32>, vector<1536x1024xf32>, vector<256x1536xf32> -> vector<256x1536xf32>
      %slice3A = vector.extract_strided_slice %dot_general3A_10 {offsets = [0, 0], sizes = [256, 768], strides = [1, 1]} : vector<256x1536xf32> to vector<256x768xf32>
      %slice3A_11 = vector.extract_strided_slice %dot_general3A_10 {offsets = [0, 768], sizes = [256, 768], strides = [1, 1]} : vector<256x1536xf32> to vector<256x768xf32>
      %neg3A = arith.constant 0.000000e+00 : f32
      %neg3A_12 = vector.broadcast %neg3A : f32 to vector<256x768xf32>
      %neg3A_13 = arith.subf %neg3A_12, %slice3A : vector<256x768xf32>
      %exp3A = math.exp %neg3A_13 : vector<256x768xf32>
      %add3A = arith.constant 1.000000e+00 : f32
      %add3A_14 = vector.broadcast %add3A : f32 to vector<256x768xf32>
      %add3A_15 = arith.addf %add3A_14, %exp3A : vector<256x768xf32>
      %div3A = arith.constant 1.000000e+00 : f32
      %div3A_16 = vector.broadcast %div3A : f32 to vector<256x768xf32>
      %div3A_17 = arith.divf %div3A_16, %add3A_15 : vector<256x768xf32>
      %mul3A = arith.mulf %slice3A, %div3A_17 : vector<256x768xf32>
      %mul3A_18 = arith.mulf %mul3A, %slice3A_11 : vector<256x768xf32>
      %get3A_19 = arith.constant 0 : index
      %get3A_20 = arith.constant 0 : index
      %get3A_21 = arith.constant 0 : index
      %get3A_22 = vector.load %arg4[%get3A_19, %get3A_20, %get3A_21] : memref<1x1024x768xf32, #tpu.memory_space<vmem>>, vector<1x1024x768xf32>
      %get3A_23 = vector.shape_cast %get3A_22 : vector<1x1024x768xf32> to vector<1024x768xf32>
      %dot_general3A_24 = arith.constant dense<0.000000e+00> : vector<256x1024xf32>
      %dot_general3A_25 = tpu.matmul %mul3A_18, %get3A_23, %dot_general3A_24 {dimension_numbers = #tpu.dot_dimension_numbers<[1], [1], [0], [0], [0, 0, 1, 0], [], []>, transpose_lhs_hint = false} : vector<256x768xf32>, vector<1024x768xf32>, vector<256x1024xf32> -> vector<256x1024xf32>
      %swap3A = arith.constant 0 : index
      %swap3A_26 = arith.constant 0 : index
      %swap3A_27 = vector.load %arg5[%swap3A, %swap3A_26] : memref<256x1024xf32, #tpu.memory_space<vmem>>, vector<256x1024xf32>
      tpu.vector_store %arg5[%swap3A, %swap3A_26], %dot_general3A_25 {strides = array<i32>} : memref<256x1024xf32, #tpu.memory_space<vmem>>, vector<256x1024xf32>,
    } else {
    }
    return
  }
  func.func @transform_0(%arg0: i32, %arg1: memref<49xi32, #tpu.memory_space<smem>>) -> (i32, i32) {
    %c0_i32 = arith.constant 0 : i32
    %c0_i32_0 = arith.constant 0 : i32
    return %arg0, %c0_i32 : i32, i32
  }
  func.func @transform_1(%arg0: i32, %arg1: memref<49xi32, #tpu.memory_space<smem>>) -> (i32, i32, i32) {
    %get3A = arith.constant 48 : index
    %get3A_0 = memref.load %arg1[%get3A] : memref<49xi32, #tpu.memory_space<smem>>
    %sub3A = arith.constant 1 : i32
    %sub3A_1 = arith.subi %get3A_0, %sub3A : i32
    %min3A = arith.minsi %arg0, %sub3A_1 : i32
    %get3A_2 = arith.index_cast %min3A : i32 to index
    %get3A_3 = memref.load %arg1[%get3A_2] : memref<49xi32, #tpu.memory_space<smem>>
    %c0_i32 = arith.constant 0 : i32
    %c0_i32_4 = arith.constant 0 : i32
    %c0_i32_5 = arith.constant 0 : i32
    return %get3A_3, %c0_i32, %c0_i32_4 : i32, i32, i32
  }
  func.func @transform_2(%arg0: i32, %arg1: memref<49xi32, #tpu.memory_space<smem>>) -> (i32, i32, i32) {
    %get3A = arith.constant 48 : index
    %get3A_0 = memref.load %arg1[%get3A] : memref<49xi32, #tpu.memory_space<smem>>
    %sub3A = arith.constant 1 : i32
    %sub3A_1 = arith.subi %get3A_0, %sub3A : i32
    %min3A = arith.minsi %arg0, %sub3A_1 : i32
    %get3A_2 = arith.index_cast %min3A : i32 to index
    %get3A_3 = memref.load %arg1[%get3A_2] : memref<49xi32, #tpu.memory_space<smem>>
    %c0_i32 = arith.constant 0 : i32
    %c0_i32_4 = arith.constant 0 : i32
    %c0_i32_5 = arith.constant 0 : i32
    return %get3A_3, %c0_i32, %c0_i32_4 : i32, i32, i32
  }
  func.func @transform_3(%arg0: i32, %arg1: memref<49xi32, #tpu.memory_space<smem>>) -> (i32, i32) {
    %c0_i32 = arith.constant 0 : i32
    %c0_i32_0 = arith.constant 0 : i32
    return %arg0, %c0_i32 : i32, i32
  }
}

module attributes {stable_mosaic.version = 14 : i64} {
  func.func @_router_body(%arg0: memref<4096x1024xf32, #tpu.memory_space<vmem>>, %arg1: memref<16x1024xf32, #tpu.memory_space<vmem>>, %arg2: memref<4096x128xf32, #tpu.memory_space<vmem>>, %arg3: memref<64x128xi32, #tpu.memory_space<vmem>>, %arg4: memref<8192x16xf32, #tpu.memory_space<vmem>>, %arg5: memref<8192x16xf32, #tpu.memory_space<vmem>>) attributes {dimension_semantics = [], scalar_prefetch = 0 : i64, scratch_operands = 2 : i64, tpu.core_type = #tpu.core_type<tc>} {
    %get3A = arith.constant 0 : index
    %get3A_0 = arith.constant 0 : index
    %get3A_1 = vector.load %arg0[%get3A, %get3A_0] : memref<4096x1024xf32, #tpu.memory_space<vmem>>, vector<4096x1024xf32>
    %get3A_2 = arith.constant 0 : index
    %get3A_3 = arith.constant 0 : index
    %get3A_4 = vector.load %arg1[%get3A_2, %get3A_3] : memref<16x1024xf32, #tpu.memory_space<vmem>>, vector<16x1024xf32>
    %dot_general3A = arith.constant dense<0.000000e+00> : vector<4096x16xf32>
    %dot_general3A_5 = tpu.matmul %get3A_1, %get3A_4, %dot_general3A {dimension_numbers = #tpu.dot_dimension_numbers<[1], [1], [0], [0], [0, 0, 1, 0], [], []>, transpose_lhs_hint = false} : vector<4096x1024xf32>, vector<16x1024xf32>, vector<4096x16xf32> -> vector<4096x16xf32>
    %iota3A = tpu.iota {dimensions = array<i32: 1>} : vector<4096x16xi32>
    %reduce_max3A = arith.constant dense<0xFF800000> : vector<4096xf32>
    %reduce_max3A_6 = vector.multi_reduction <maximumf>, %dot_general3A_5, %reduce_max3A [1] : vector<4096x16xf32> to vector<4096xf32>
    %broadcast_in_dim3A = vector.shape_cast %reduce_max3A_6 : vector<4096xf32> to vector<4096x1xf32>
    %eq3A = vector.broadcast %broadcast_in_dim3A : vector<4096x1xf32> to vector<4096x16xf32>
    %eq3A_7 = arith.cmpf oeq, %dot_general3A_5, %eq3A : vector<4096x16xf32>
    %jit3A = arith.constant 16 : i32
    %broadcast_in_dim3A_8 = vector.broadcast %jit3A : i32 to vector<4096x16xi32>
    %select_n3A = arith.select %eq3A_7, %iota3A, %broadcast_in_dim3A_8 : vector<4096x16xi1>, vector<4096x16xi32>
    %reduce_min3A = arith.constant dense<2147483647> : vector<4096xi32>
    %reduce_min3A_9 = vector.multi_reduction <minsi>, %select_n3A, %reduce_min3A [1] : vector<4096x16xi32> to vector<4096xi32>
    %broadcast_in_dim3A_10 = vector.shape_cast %reduce_min3A_9 : vector<4096xi32> to vector<4096x1xi32>
    %eq3A_11 = vector.broadcast %broadcast_in_dim3A_10 : vector<4096x1xi32> to vector<4096x16xi32>
    %eq3A_12 = arith.cmpi eq, %iota3A, %eq3A_11 : vector<4096x16xi32>
    %jit3A_13 = arith.constant 0xFF800000 : f32
    %broadcast_in_dim3A_14 = vector.broadcast %jit3A_13 : f32 to vector<4096x16xf32>
    %select_n3A_15 = arith.select %eq3A_12, %broadcast_in_dim3A_14, %dot_general3A_5 : vector<4096x16xi1>, vector<4096x16xf32>
    %reduce_max3A_16 = arith.constant dense<0xFF800000> : vector<4096xf32>
    %reduce_max3A_17 = vector.multi_reduction <maximumf>, %select_n3A_15, %reduce_max3A_16 [1] : vector<4096x16xf32> to vector<4096xf32>
    %broadcast_in_dim3A_18 = vector.shape_cast %reduce_max3A_17 : vector<4096xf32> to vector<4096x1xf32>
    %eq3A_19 = vector.broadcast %broadcast_in_dim3A_18 : vector<4096x1xf32> to vector<4096x16xf32>
    %eq3A_20 = arith.cmpf oeq, %select_n3A_15, %eq3A_19 : vector<4096x16xf32>
    %jit3A_21 = arith.constant 16 : i32
    %broadcast_in_dim3A_22 = vector.broadcast %jit3A_21 : i32 to vector<4096x16xi32>
    %select_n3A_23 = arith.select %eq3A_20, %iota3A, %broadcast_in_dim3A_22 : vector<4096x16xi1>, vector<4096x16xi32>
    %reduce_min3A_24 = arith.constant dense<2147483647> : vector<4096xi32>
    %reduce_min3A_25 = vector.multi_reduction <minsi>, %select_n3A_23, %reduce_min3A_24 [1] : vector<4096x16xi32> to vector<4096xi32>
    %broadcast_in_dim3A_26 = vector.shape_cast %reduce_min3A_25 : vector<4096xi32> to vector<4096x1xi32>
    %sub3A = arith.subf %broadcast_in_dim3A_18, %broadcast_in_dim3A : vector<4096x1xf32>
    %exp3A = math.exp %sub3A : vector<4096x1xf32>
    %add3A = arith.constant 1.000000e+00 : f32
    %add3A_27 = vector.broadcast %add3A : f32 to vector<4096x1xf32>
    %add3A_28 = arith.addf %add3A_27, %exp3A : vector<4096x1xf32>
    %div3A = arith.constant 1.000000e+00 : f32
    %div3A_29 = vector.broadcast %div3A : f32 to vector<4096x1xf32>
    %div3A_30 = arith.divf %div3A_29, %add3A_28 : vector<4096x1xf32>
    %sub3A_31 = arith.constant 1.000000e+00 : f32
    %sub3A_32 = vector.broadcast %sub3A_31 : f32 to vector<4096x1xf32>
    %sub3A_33 = arith.subf %sub3A_32, %div3A_30 : vector<4096x1xf32>
    %eq3A_34 = vector.broadcast %broadcast_in_dim3A_10 : vector<4096x1xi32> to vector<4096x16xi32>
    %eq3A_35 = arith.cmpi eq, %iota3A, %eq3A_34 : vector<4096x16xi32>
    %convert_element_type3A = arith.extui %eq3A_35 : vector<4096x16xi1> to vector<4096x16xi32>
    %convert_element_type3A_36 = arith.sitofp %convert_element_type3A : vector<4096x16xi32> to vector<4096x16xf32>
    %eq3A_37 = vector.broadcast %broadcast_in_dim3A_26 : vector<4096x1xi32> to vector<4096x16xi32>
    %eq3A_38 = arith.cmpi eq, %iota3A, %eq3A_37 : vector<4096x16xi32>
    %convert_element_type3A_39 = arith.extui %eq3A_38 : vector<4096x16xi1> to vector<4096x16xi32>
    %convert_element_type3A_40 = arith.sitofp %convert_element_type3A_39 : vector<4096x16xi32> to vector<4096x16xf32>
    %swap3A = arith.constant 0 : index
    %swap3A_41 = arith.constant 0 : index
    %swap3A_42 = vector.load %arg4[%swap3A, %swap3A_41] : memref<8192x16xf32, #tpu.memory_space<vmem>>, vector<4096x16xf32>
    tpu.vector_store %arg4[%swap3A, %swap3A_41], %convert_element_type3A_36 {strides = array<i32>} : memref<8192x16xf32, #tpu.memory_space<vmem>>, vector<4096x16xf32>,
    %swap3A_43 = arith.constant 4096 : index
    %swap3A_44 = arith.constant 0 : index
    %swap3A_45 = vector.load %arg4[%swap3A_43, %swap3A_44] : memref<8192x16xf32, #tpu.memory_space<vmem>>, vector<4096x16xf32>
    tpu.vector_store %arg4[%swap3A_43, %swap3A_44], %convert_element_type3A_40 {strides = array<i32>} : memref<8192x16xf32, #tpu.memory_space<vmem>>, vector<4096x16xf32>,
    %iota3A_46 = tpu.iota {dimensions = array<i32: 0>} : vector<512x512xi32>
    %iota3A_47 = tpu.iota {dimensions = array<i32: 1>} : vector<512x512xi32>
    %ge3A = arith.cmpi sge, %iota3A_46, %iota3A_47 : vector<512x512xi32>
    %convert_element_type3A_48 = arith.extui %ge3A : vector<512x512xi1> to vector<512x512xi32>
    %convert_element_type3A_49 = arith.sitofp %convert_element_type3A_48 : vector<512x512xi32> to vector<512x512xf32>
    %broadcast_in_dim3A_50 = arith.constant 0.000000e+00 : f32
    %broadcast_in_dim3A_51 = vector.broadcast %broadcast_in_dim3A_50 : f32 to vector<1x16xf32>
    %scan3A = arith.constant 0 : i32
    %scan3A_52 = arith.constant 16 : i32
    %scan3A_53 = arith.addi %scan3A, %scan3A_52 : i32
    %scan3A_54 = arith.constant 1 : i32
    %scan3A_55 = scf.for %scan3A_143 = %scan3A to %scan3A_53 step %scan3A_54 iter_args(%scan3A_144 = %broadcast_in_dim3A_51) -> (vector<1x16xf32>)  : i32 {
      %mul3A_145 = arith.constant 512 : i32
      %mul3A_146 = arith.muli %scan3A_143, %mul3A_145 : i32
      %get3A_147 = arith.index_cast %mul3A_146 : i32 to index
      %get3A_148 = arith.constant 0 : index
      %get3A_149 = vector.load %arg4[%get3A_147, %get3A_148] : memref<8192x16xf32, #tpu.memory_space<vmem>>, vector<512x16xf32>
      %dot_general3A_150 = arith.constant dense<0.000000e+00> : vector<512x16xf32>
      %dot_general3A_151 = tpu.matmul %convert_element_type3A_49, %get3A_149, %dot_general3A_150 {dimension_numbers = #tpu.dot_dimension_numbers<[1], [0], [0], [1], [0, 0, 1, 1], [], []>, transpose_lhs_hint = false} : vector<512x512xf32>, vector<512x16xf32>, vector<512x16xf32> -> vector<512x16xf32>
      %add3A_152 = vector.broadcast %scan3A_144 : vector<1x16xf32> to vector<512x16xf32>
      %add3A_153 = arith.addf %dot_general3A_151, %add3A_152 : vector<512x16xf32>
      %mul3A_154 = arith.constant 512 : i32
      %mul3A_155 = arith.muli %scan3A_143, %mul3A_154 : i32
      %swap3A_156 = arith.index_cast %mul3A_155 : i32 to index
      %swap3A_157 = arith.constant 0 : index
      %swap3A_158 = vector.load %arg5[%swap3A_156, %swap3A_157] : memref<8192x16xf32, #tpu.memory_space<vmem>>, vector<512x16xf32>
      tpu.vector_store %arg5[%swap3A_156, %swap3A_157], %add3A_153 {strides = array<i32>} : memref<8192x16xf32, #tpu.memory_space<vmem>>, vector<512x16xf32>,
      %slice3A_159 = vector.extract_strided_slice %dot_general3A_151 {offsets = [511, 0], sizes = [1, 16], strides = [1, 1]} : vector<512x16xf32> to vector<1x16xf32>
      %add3A_160 = arith.addf %scan3A_144, %slice3A_159 : vector<1x16xf32>
      scf.yield %add3A_160 : vector<1x16xf32>
    }
    %scan3A_56 = arith.constant 16 : i32
    %div3A_57 = arith.constant 2.560000e+02 : f32
    %div3A_58 = vector.broadcast %div3A_57 : f32 to vector<1x16xf32>
    %div3A_59 = arith.divf %scan3A_55, %div3A_58 : vector<1x16xf32>
    %ceil3A = math.ceil %div3A_59 : vector<1x16xf32>
    %iota3A_60 = tpu.iota {dimensions = array<i32: 0>} : vector<16x16xi32>
    %iota3A_61 = tpu.iota {dimensions = array<i32: 1>} : vector<16x16xi32>
    %lt3A = arith.cmpi slt, %iota3A_60, %iota3A_61 : vector<16x16xi32>
    %convert_element_type3A_62 = arith.extui %lt3A : vector<16x16xi1> to vector<16x16xi32>
    %convert_element_type3A_63 = arith.sitofp %convert_element_type3A_62 : vector<16x16xi32> to vector<16x16xf32>
    %le3A = arith.cmpi sle, %iota3A_60, %iota3A_61 : vector<16x16xi32>
    %convert_element_type3A_64 = arith.extui %le3A : vector<16x16xi1> to vector<16x16xi32>
    %convert_element_type3A_65 = arith.sitofp %convert_element_type3A_64 : vector<16x16xi32> to vector<16x16xf32>
    %dot_general3A_66 = arith.constant dense<0.000000e+00> : vector<1x16xf32>
    %dot_general3A_67 = tpu.matmul %ceil3A, %convert_element_type3A_63, %dot_general3A_66 {dimension_numbers = #tpu.dot_dimension_numbers<[1], [0], [0], [1], [0, 0, 1, 1], [], []>, transpose_lhs_hint = false} : vector<1x16xf32>, vector<16x16xf32>, vector<1x16xf32> -> vector<1x16xf32>
    %mul3A = arith.constant 2.560000e+02 : f32
    %mul3A_68 = vector.broadcast %mul3A : f32 to vector<1x16xf32>
    %mul3A_69 = arith.mulf %dot_general3A_67, %mul3A_68 : vector<1x16xf32>
    %dot_general3A_70 = arith.constant dense<0.000000e+00> : vector<1x16xf32>
    %dot_general3A_71 = tpu.matmul %ceil3A, %convert_element_type3A_65, %dot_general3A_70 {dimension_numbers = #tpu.dot_dimension_numbers<[1], [0], [0], [1], [0, 0, 1, 1], [], []>, transpose_lhs_hint = false} : vector<1x16xf32>, vector<16x16xf32>, vector<1x16xf32> -> vector<1x16xf32>
    %slice3A = vector.extract_strided_slice %dot_general3A_71 {offsets = [0, 15], sizes = [1, 1], strides = [1, 1]} : vector<1x16xf32> to vector<1x1xf32>
    %get3A_72 = arith.constant 0 : index
    %get3A_73 = arith.constant 0 : index
    %get3A_74 = vector.load %arg5[%get3A_72, %get3A_73] : memref<8192x16xf32, #tpu.memory_space<vmem>>, vector<4096x16xf32>
    %get3A_75 = arith.constant 4096 : index
    %get3A_76 = arith.constant 0 : index
    %get3A_77 = vector.load %arg5[%get3A_75, %get3A_76] : memref<8192x16xf32, #tpu.memory_space<vmem>>, vector<4096x16xf32>
    %sub3A_78 = arith.constant 1.000000e+00 : f32
    %sub3A_79 = vector.broadcast %sub3A_78 : f32 to vector<4096x16xf32>
    %sub3A_80 = arith.subf %get3A_74, %sub3A_79 : vector<4096x16xf32>
    %add3A_81 = vector.broadcast %mul3A_69 : vector<1x16xf32> to vector<4096x16xf32>
    %add3A_82 = arith.addf %sub3A_80, %add3A_81 : vector<4096x16xf32>
    %mul3A_83 = arith.mulf %convert_element_type3A_36, %add3A_82 : vector<4096x16xf32>
    %reduce_sum3A = arith.constant dense<0.000000e+00> : vector<4096xf32>
    %reduce_sum3A_84 = vector.multi_reduction <add>, %mul3A_83, %reduce_sum3A [1] : vector<4096x16xf32> to vector<4096xf32>
    %broadcast_in_dim3A_85 = vector.shape_cast %reduce_sum3A_84 : vector<4096xf32> to vector<4096x1xf32>
    %sub3A_86 = arith.constant 1.000000e+00 : f32
    %sub3A_87 = vector.broadcast %sub3A_86 : f32 to vector<4096x16xf32>
    %sub3A_88 = arith.subf %get3A_77, %sub3A_87 : vector<4096x16xf32>
    %add3A_89 = vector.broadcast %mul3A_69 : vector<1x16xf32> to vector<4096x16xf32>
    %add3A_90 = arith.addf %sub3A_88, %add3A_89 : vector<4096x16xf32>
    %mul3A_91 = arith.mulf %convert_element_type3A_40, %add3A_90 : vector<4096x16xf32>
    %reduce_sum3A_92 = arith.constant dense<0.000000e+00> : vector<4096xf32>
    %reduce_sum3A_93 = vector.multi_reduction <add>, %mul3A_91, %reduce_sum3A_92 [1] : vector<4096x16xf32> to vector<4096xf32>
    %broadcast_in_dim3A_94 = vector.shape_cast %reduce_sum3A_93 : vector<4096xf32> to vector<4096x1xf32>
    %iota3A_95 = tpu.iota {dimensions = array<i32: 1>} : vector<4096x128xi32>
    %eq3A_96 = arith.constant 0 : i32
    %eq3A_97 = vector.broadcast %eq3A_96 : i32 to vector<4096x128xi32>
    %eq3A_98 = arith.cmpi eq, %iota3A_95, %eq3A_97 : vector<4096x128xi32>
    %eq3A_99 = arith.constant 1 : i32
    %eq3A_100 = vector.broadcast %eq3A_99 : i32 to vector<4096x128xi32>
    %eq3A_101 = arith.cmpi eq, %iota3A_95, %eq3A_100 : vector<4096x128xi32>
    %eq3A_102 = arith.constant 2 : i32
    %eq3A_103 = vector.broadcast %eq3A_102 : i32 to vector<4096x128xi32>
    %eq3A_104 = arith.cmpi eq, %iota3A_95, %eq3A_103 : vector<4096x128xi32>
    %broadcast_in_dim3A_105 = vector.shape_cast %div3A_30 : vector<4096x1xf32> to vector<4096x1xf32>
    %broadcast_in_dim3A_106 = vector.broadcast %broadcast_in_dim3A_105 : vector<4096x1xf32> to vector<4096x128xf32>
    %broadcast_in_dim3A_107 = vector.shape_cast %sub3A_33 : vector<4096x1xf32> to vector<4096x1xf32>
    %broadcast_in_dim3A_108 = vector.broadcast %broadcast_in_dim3A_107 : vector<4096x1xf32> to vector<4096x128xf32>
    %select_n3A_109 = arith.select %eq3A_104, %broadcast_in_dim3A_106, %broadcast_in_dim3A_108 : vector<4096x128xi1>, vector<4096x128xf32>
    %broadcast_in_dim3A_110 = vector.shape_cast %broadcast_in_dim3A_94 : vector<4096x1xf32> to vector<4096x1xf32>
    %broadcast_in_dim3A_111 = vector.broadcast %broadcast_in_dim3A_110 : vector<4096x1xf32> to vector<4096x128xf32>
    %select_n3A_112 = arith.select %eq3A_101, %broadcast_in_dim3A_111, %select_n3A_109 : vector<4096x128xi1>, vector<4096x128xf32>
    %broadcast_in_dim3A_113 = vector.shape_cast %broadcast_in_dim3A_85 : vector<4096x1xf32> to vector<4096x1xf32>
    %broadcast_in_dim3A_114 = vector.broadcast %broadcast_in_dim3A_113 : vector<4096x1xf32> to vector<4096x128xf32>
    %select_n3A_115 = arith.select %eq3A_98, %broadcast_in_dim3A_114, %select_n3A_112 : vector<4096x128xi1>, vector<4096x128xf32>
    %swap3A_116 = arith.constant 0 : index
    %swap3A_117 = arith.constant 0 : index
    %swap3A_118 = vector.load %arg2[%swap3A_116, %swap3A_117] : memref<4096x128xf32, #tpu.memory_space<vmem>>, vector<4096x128xf32>
    tpu.vector_store %arg2[%swap3A_116, %swap3A_117], %select_n3A_115 {strides = array<i32>} : memref<4096x128xf32, #tpu.memory_space<vmem>>, vector<4096x128xf32>,
    %iota3A_119 = tpu.iota {dimensions = array<i32: 0>} : vector<64x16xi32>
    %convert_element_type3A_120 = arith.sitofp %iota3A_119 : vector<64x16xi32> to vector<64x16xf32>
    %ge3A_121 = vector.broadcast %dot_general3A_71 : vector<1x16xf32> to vector<64x16xf32>
    %ge3A_122 = arith.cmpf oge, %convert_element_type3A_120, %ge3A_121 : vector<64x16xf32>
    %convert_element_type3A_123 = arith.extui %ge3A_122 : vector<64x16xi1> to vector<64x16xi32>
    %convert_element_type3A_124 = arith.sitofp %convert_element_type3A_123 : vector<64x16xi32> to vector<64x16xf32>
    %reduce_sum3A_125 = arith.constant dense<0.000000e+00> : vector<64xf32>
    %reduce_sum3A_126 = vector.multi_reduction <add>, %convert_element_type3A_124, %reduce_sum3A_125 [1] : vector<64x16xf32> to vector<64xf32>
    %broadcast_in_dim3A_127 = vector.shape_cast %reduce_sum3A_126 : vector<64xf32> to vector<64x1xf32>
    %min3A = arith.constant 1.500000e+01 : f32
    %min3A_128 = vector.broadcast %min3A : f32 to vector<64x1xf32>
    %min3A_129 = arith.minimumf %broadcast_in_dim3A_127, %min3A_128 : vector<64x1xf32>
    %iota3A_130 = tpu.iota {dimensions = array<i32: 0>} : vector<64x1xi32>
    %eq3A_131 = arith.constant 48 : i32
    %eq3A_132 = vector.broadcast %eq3A_131 : i32 to vector<64x1xi32>
    %eq3A_133 = arith.cmpi eq, %iota3A_130, %eq3A_132 : vector<64x1xi32>
    %broadcast_in_dim3A_134 = vector.shape_cast %slice3A : vector<1x1xf32> to vector<1x1xf32>
    %broadcast_in_dim3A_135 = vector.broadcast %broadcast_in_dim3A_134 : vector<1x1xf32> to vector<64x1xf32>
    %select_n3A_136 = arith.select %eq3A_133, %broadcast_in_dim3A_135, %min3A_129 : vector<64x1xi1>, vector<64x1xf32>
    %broadcast_in_dim3A_137 = vector.shape_cast %select_n3A_136 : vector<64x1xf32> to vector<64x1xf32>
    %broadcast_in_dim3A_138 = vector.broadcast %broadcast_in_dim3A_137 : vector<64x1xf32> to vector<64x128xf32>
    %convert_element_type3A_139 = arith.fptosi %broadcast_in_dim3A_138 : vector<64x128xf32> to vector<64x128xi32>
    %swap3A_140 = arith.constant 0 : index
    %swap3A_141 = arith.constant 0 : index
    %swap3A_142 = vector.load %arg3[%swap3A_140, %swap3A_141] : memref<64x128xi32, #tpu.memory_space<vmem>>, vector<64x128xi32>
    tpu.vector_store %arg3[%swap3A_140, %swap3A_141], %convert_element_type3A_139 {strides = array<i32>} : memref<64x128xi32, #tpu.memory_space<vmem>>, vector<64x128xi32>,
    return
  }
}

module attributes {stable_mosaic.version = 14 : i64} {
  func.func @_combine_body(%arg0: i32, %arg1: memref<512x1024xf32, #tpu.memory_space<vmem>>, %arg2: memref<512x1024xf32, #tpu.memory_space<vmem>>, %arg3: memref<512x128xf32, #tpu.memory_space<vmem>>, %arg4: memref<512x1024xf32, #tpu.memory_space<vmem>>) attributes {dimension_semantics = [#tpu.dimension_semantics<arbitrary>], iteration_bounds = array<i64: 8>, scalar_prefetch = 0 : i64, scratch_operands = 0 : i64, tpu.core_type = #tpu.core_type<tc>, window_params = [{transform_indices = @transform_0, window_bounds = array<i64: 512, 1024>}, {transform_indices = @transform_1, window_bounds = array<i64: 512, 1024>}, {transform_indices = @transform_2, window_bounds = array<i64: 512, 128>}, {transform_indices = @transform_3, window_bounds = array<i64: 512, 1024>}]} {
    %get3A = arith.constant 0 : index
    %get3A_0 = arith.constant 2 : index
    %get3A_1 = vector.load %arg3[%get3A, %get3A_0] : memref<512x128xf32, #tpu.memory_space<vmem>>, vector<512x1xf32>
    %get3A_2 = arith.constant 0 : index
    %get3A_3 = arith.constant 3 : index
    %get3A_4 = vector.load %arg3[%get3A_2, %get3A_3] : memref<512x128xf32, #tpu.memory_space<vmem>>, vector<512x1xf32>
    %get3A_5 = arith.constant 0 : index
    %get3A_6 = arith.constant 0 : index
    %get3A_7 = vector.load %arg1[%get3A_5, %get3A_6] : memref<512x1024xf32, #tpu.memory_space<vmem>>, vector<512x1024xf32>
    %mul3A = vector.broadcast %get3A_1 : vector<512x1xf32> to vector<512x1024xf32>
    %mul3A_8 = arith.mulf %get3A_7, %mul3A : vector<512x1024xf32>
    %get3A_9 = arith.constant 0 : index
    %get3A_10 = arith.constant 0 : index
    %get3A_11 = vector.load %arg2[%get3A_9, %get3A_10] : memref<512x1024xf32, #tpu.memory_space<vmem>>, vector<512x1024xf32>
    %mul3A_12 = vector.broadcast %get3A_4 : vector<512x1xf32> to vector<512x1024xf32>
    %mul3A_13 = arith.mulf %get3A_11, %mul3A_12 : vector<512x1024xf32>
    %add3A = arith.addf %mul3A_8, %mul3A_13 : vector<512x1024xf32>
    %swap3A = arith.constant 0 : index
    %swap3A_14 = arith.constant 0 : index
    %swap3A_15 = vector.load %arg4[%swap3A, %swap3A_14] : memref<512x1024xf32, #tpu.memory_space<vmem>>, vector<512x1024xf32>
    tpu.vector_store %arg4[%swap3A, %swap3A_14], %add3A {strides = array<i32>} : memref<512x1024xf32, #tpu.memory_space<vmem>>, vector<512x1024xf32>,
    return
  }
  func.func @transform_0(%arg0: i32) -> (i32, i32) {
    %c0_i32 = arith.constant 0 : i32
    %c0_i32_0 = arith.constant 0 : i32
    return %arg0, %c0_i32 : i32, i32
  }
  func.func @transform_1(%arg0: i32) -> (i32, i32) {
    %c0_i32 = arith.constant 0 : i32
    %c0_i32_0 = arith.constant 0 : i32
    return %arg0, %c0_i32 : i32, i32
  }
  func.func @transform_2(%arg0: i32) -> (i32, i32) {
    %c0_i32 = arith.constant 0 : i32
    %c0_i32_0 = arith.constant 0 : i32
    return %arg0, %c0_i32 : i32, i32
  }
  func.func @transform_3(%arg0: i32) -> (i32, i32) {
    %c0_i32 = arith.constant 0 : i32
    %c0_i32_0 = arith.constant 0 : i32
    return %arg0, %c0_i32 : i32, i32
  }
}

</mosaic_0001>

<sc_bundles>
// kernel: kernel.10.cloned.1.call-start
scs
__scs_entry_jumppad:
0x0: {  	(pc) =	sbr.rel $0x88, $3  }
0x1: {  	(tag) =	ssettag $0x0;
	lr =	simm.s32 $0x1  }
0x2: {  	[smem:$0x3F9D] =	sst lr;
	_ =	strace $0xD0000000  }
0x3: {  	_ = 	snop  }
0x4: {  	_ = 	snop  }
0x5: {  	_ = 	snop  }
0x6: {  	_ = 	snop  }
0x7: {  	_ = 	snop  }
__scs_overlays_trampoline_lowered:
0x8: {  	[smem:$0x3FAC] =	sst s0  }
0x9: {  	[smem:$0x3FAD] =	sst s1  }
0xa: {  	[smem:$0x3FAE] =	sst s2  }
0xb: {  	[smem:$0x3FAF] =	sst s3  }
0xc: {  	[smem:$0x3FB0] =	sst s4  }
0xd: {  	[smem:$0x3FB1] =	sst s5  }
0xe: {  	[smem:$0x3FB2] =	sst s6  }
0xf: {  	[smem:$0x3FB3] =	sst s7  }
0x10: {  	[smem:$0x3FB4] =	sst s8  }
0x11: {  	[smem:$0x3FB5] =	sst s9;
	s0 =	simm.s32 @!p0 $0x0  }
0x12: {  	s1 =	sld [smem:$0x3F9B];
	s0 =	simm.s32 @p0 $0x1  }
0x13: {  	[smem:$0x3FB6] =	sst s0;
	s0 =	simm.s32 @!p1 $0x0  }
0x14: {  	s2 =	sld [smem:$0x3F9A];
	s0 =	simm.s32 @p1 $0x1  }
0x15: {  	[smem:$0x3FB7] =	sst s0;
	s0 =	simm.s32 @!p2 $0x0  }
0x16: {  	s3 =	sld [smem:$0x3FDB];
	s0 =	simm.s32 @p2 $0x1  }
0x17: {  	s4 =	simm.s32 $0x1BF5;
	[smem:$0x3FB9] =	sst s0  }
0x18: {  	s0 =	sld [smem:$0x3F9C];
	_ =	swait.ge [sflag:s4], $0x0  }
0x19: {  	s7 =	sld [smem:$0x3F9D]  }
0x1a: {  	s8 =	sadd.s32 $0xFFFFE003, lr  }
0x1b: {  	s9 =	sadd.s32 $0xFFFFFEF7, lr;
	s5 =	simm.s32 $0xFFFFFFFF;
	p2 =	slt.u32 s8, $0xFFFFF086  }
0x1c: {  	p1 =	slt.u32 s9, $0xF7A;
	s5 =	simm.s32 @!p2 $0x0  }
0x1d: {  	s5 =	simm.s32 @p1 $0x1;
	p0 =	seq.s32 s7, s2  }
0x1e: {  	s7 =	smul.u32 @!p0 $0xF7A, s2;
	p2 =	seq.s32 @!p0 s5, $0x0  }
0x1f: {  	s9 =	smul.u32 $0xF7A, s1;
	s8 =	simm.s32 @!p0 $0x1BF5;
	p2 =	por !p2, p0  }
0x20: {  	[sflag:s8] =	ssyncset.s32 @!p0 $0xFFFFF086;
	s6 =	sadd.s32 @!p0 s3, s7;
	s7 =	simm.s32 @!p0 $0x108  }
0x21: {  	s3 =	sadd.s32 s3, s9;
	s6 =	sadd.s32 @!p0 $0x88, s6;
	s7 =	simm.s32 @p2 $0x1082  }
0x22: {  	[simem:s7], [sflag:s8] =	dma.local @!p0 [hbm:s6], $0xF7A  }
0x23: {  	s9 =	sor.u32 $0xD0000000, s2;
	s6 =	simm.s32 $0x108;
	_ =	swait.ge @!p0 [sflag:s8], $0x0  }
0x24: {  	s3 =	sadd.s32 $0x88, s3;
	s6 =	simm.s32 @!p1 $0x1082;
	[sflag:s4] =	ssyncset.s32 $0xFFFFF086  }
0x25: {  	[simem:s6], [sflag:s4] =	dma.local [hbm:s3], $0xF7A  }
0x26: {  	[smem:$0x3F9D] =	sst s1;
	(tag) =	ssettag s2;
	_ =	strace s9  }
0x27: {  	s1 =	sld [smem:$0x3FAD]  }
0x28: {  	s2 =	sld [smem:$0x3FAE]  }
0x29: {  	s4 =	sld [smem:$0x3FB0]  }
0x2a: {  	p0 =	seq.s32 s5, $0x0;
	s5 =	sld [smem:$0x3FB1]  }
0x2b: {  	s6 =	sld [smem:$0x3FB2]  }
0x2c: {  	s7 =	sld [smem:$0x3FB3]  }
0x2d: {  	s3 =	simm.s32 $0x108;
	s8 =	sld [smem:$0x3FB4]  }
0x2e: {  	s3 =	simm.s32 @!p0 $0x1082;
	s9 =	sld [smem:$0x3FB5]  }
0x2f: {  	lr =	sadd.s32 s0, s3;
	s0 =	sld [smem:$0x3FAC]  }
0x30: {  	s3 =	sld [smem:$0x3FAF]  }
0x31: {  	[smem:$0x3FB8] =	sst s10  }
0x32: {  	s10 =	sld [smem:$0x3FB6];
	_ =	sdelay $0x3  }
0x33: {  	p0 =	seq.s32 s10, $0x1;
	s10 =	sld [smem:$0x3FB8];
	_ =	sdelay $0x3  }
0x34: {  	[smem:$0x3FB8] =	sst s10  }
0x35: {  	s10 =	sld [smem:$0x3FB7];
	_ =	sdelay $0x3  }
0x36: {  	p1 =	seq.s32 s10, $0x1;
	s10 =	sld [smem:$0x3FB8];
	_ =	sdelay $0x3  }
0x37: {  	[smem:$0x3FB8] =	sst s10  }
0x38: {  	s10 =	sld [smem:$0x3FB9]  }
0x39: {  	_ = 	snop;
	(pc) =	sbr.ind lr, $3  }
0x3a: {  	_ = 	snop  }
0x3b: {  	_ = 	snop  }
0x3c: {  	p2 =	seq.s32 s10, $0x1;
	s10 =	sld [smem:$0x3FB8]  }
0x3d: {  	_ =	shalt  }
0x3e: {  	_ =	shalt  }
0x3f: {  	_ =	shalt  }
0x40: {  	_ =	shalt  }
0x41: {  	_ =	shalt  }
0x42: {  	_ =	shalt  }
0x43: {  	_ =	shalt  }
0x44: {  	_ =	shalt  }
0x45: {  	_ =	shalt  }
0x46: {  	_ =	shalt  }
0x47: {  	_ =	shalt  }
0x48: {  	_ =	shalt  }
0x49: {  	_ =	shalt  }
0x4a: {  	_ =	shalt  }
0x4b: {  	_ =	shalt  }
0x4c: {  	_ =	shalt  }
0x4d: {  	_ =	shalt  }
0x4e: {  	_ =	shalt  }
0x4f: {  	_ =	shalt  }
0x50: {  	_ =	shalt  }
0x51: {  	_ =	shalt  }
0x52: {  	_ =	shalt  }
0x53: {  	_ =	shalt  }
0x54: {  	_ =	shalt  }
0x55: {  	_ =	shalt  }
0x56: {  	_ =	shalt  }
0x57: {  	_ =	shalt  }
0x58: {  	_ =	shalt  }
0x59: {  	_ =	shalt  }
0x5a: {  	_ =	shalt  }
0x5b: {  	_ =	shalt  }
0x5c: {  	_ =	shalt  }
0x5d: {  	_ =	shalt  }
0x5e: {  	_ =	shalt  }
0x5f: {  	_ =	shalt  }
0x60: {  	_ =	shalt  }
0x61: {  	_ =	shalt  }
0x62: {  	_ =	shalt  }
0x63: {  	_ =	shalt  }
0x64: {  	_ =	shalt  }
0x65: {  	_ =	shalt  }
0x66: {  	_ =	shalt  }
0x67: {  	_ =	shalt  }
0x68: {  	_ =	shalt  }
0x69: {  	_ =	shalt  }
0x6a: {  	_ =	shalt  }
0x6b: {  	_ =	shalt  }
0x6c: {  	_ =	shalt  }
0x6d: {  	_ =	shalt  }
0x6e: {  	_ =	shalt  }
0x6f: {  	_ =	shalt  }
0x70: {  	_ =	shalt  }
0x71: {  	_ =	shalt  }
0x72: {  	_ =	shalt  }
0x73: {  	_ =	shalt  }
0x74: {  	_ =	shalt  }
0x75: {  	_ =	shalt  }
0x76: {  	_ =	shalt  }
0x77: {  	_ =	shalt  }
0x78: {  	_ =	shalt  }
0x79: {  	_ =	shalt  }
0x7a: {  	_ =	shalt  }
0x7b: {  	_ =	shalt  }
0x7c: {  	_ =	shalt  }
0x7d: {  	_ =	shalt  }
0x7e: {  	_ =	shalt  }
0x7f: {  	_ =	shalt  }
0x80: {  	_ =	shalt  }
0x81: {  	_ =	shalt  }
0x82: {  	_ =	shalt  }
0x83: {  	_ =	shalt  }
0x84: {  	_ =	shalt  }
0x85: {  	_ =	shalt  }
0x86: {  	_ =	shalt  }
0x87: {  	_ =	shalt  }
.Lfunc_end0:
.L_simem_size_0:
called_computation.1_lowered:
.L_overlay_start_0:
0x88: {  	s2 =	sld [smem:$0x3FD9]  }
0x89: {  	s3 =	sld [smem:$0x3FFE];
	_ =	sdelay $0x1  }
0x8a: {  	s1 =	srdreg.scid  }
0x8b: {  	s0 =	sand.u32 $0x1, s1  }
0x8c: {  	s17 =	sshll.u32 s0, $0xA;
	s2 =	sadd.s32 s3, s2  }
0x8d: {  	s2 =	sadd.s32 s2, s17  }
0x8e: {  	[smem:$0x3FC4] =	sst s2  }
0x8f: {  	_ = 	snop  }
0x90: {  	s2 =	sld [smem:$0x3FD0];
	(tm) =	ssettm $0x1  }
0x91: {  	s18 =	sld [smem:$0x3FFB];
	_ =	sdelay $0x3  }
0x92: {  	_ =	strace s18  }
0x93: {  	s3 =	sld [smem:$0x3FFC];
	_ =	sdelay $0x3  }
0x94: {  	_ =	strace s3  }
0x95: {  	s3 =	sld [smem:$0x3FFD];
	_ =	sdelay $0x3  }
0x96: {  	_ =	strace s3  }
0x97: {  	_ =	strace $0x8FFFFFFF  }
0x98: {  	s19 =	sld [smem:$0x3FDB];
	_ =	sdelay $0x1  }
0x99: {  	s4 =	simm.s32 $_scs_section_size  }
0x9a: {  	s5 =	simm.s32 $_size__tile_overlayer_lowered;
	s6 =	simm.s32 $_tile_overlayer_lowered  }
0x9b: {  	s22 =	simm.s32 $0x1BFF;
	s21 =	sshll.u32 s6, $0x1;
	s3 =	sadd.s32 s4, s19  }
0x9c: {  	s7 =	simm.s32 $0x0;
	s20 =	sshll.u32 s5, $0x1;
	s5 =	sadd.s32 s21, s3  }
0x9d: {  	[timem:s7], [sflag:s22] =	dma.local [hbm:s5], s20  }
0x9e: {  	_ =	swait.ge [sflag:s22], s20  }
0x9f: {  	s4 =	ssub.s32 $0x0, s20;
	[sflag:s22] =	ssyncset.done $0x0  }
0xa0: {  	[sflag:s22] =	ssyncadd.s32 s4;
	_ =	sdelay $0x1  }
0xa1: {  	s23 =	simm.s32 $0x1B8B  }
0xa2: {  	_ =	swait.ge [sflag:s23], $0x1  }
0xa3: {  	[sflag:s23] =	ssyncset.done $0x0  }
0xa4: {  	s25 =	simm.s32 $0x1B8E;
	s24 =	sld [smem:$0x3FFE];
	[sflag:s23] =	ssyncadd.s32 $0xFFFFFFFF  }
0xa5: {  	s26 =	simm.s32 $execute0_lowered;
	[smem:$0x3FD2] =	sst s25  }
0xa6: {  	s5 =	sshll.u32 s26, $0x1;
	_ =	strace $0x80000049;
	[dreg:$0x1] =	wrdreg $0xFFFFFFFF  }
0xa7: {  	s28 =	simm.s32 $_size_execute0_lowered;
	s3 =	sadd.s32 s3, s5;
	[dreg:$0x0] =	wrdreg $0x0  }
0xa8: {  	s5 =	sshll.u32 s28, $0x1;
	[dreg:$0x2] =	wrdreg s3  }
0xa9: {  	[dreg:$0x3] =	wrdreg s5  }
0xaa: {  	[dreg:$0x4] =	wrdreg $0xC0  }
0xab: {  	_ =	task [dreg:s7], $0x5FFFF  }
0xac: {  	[dreg:$0x1] =	wrdreg $0xFFFFFFFF  }
0xad: {  	[dreg:$0x0] =	wrdreg $0x60  }
0xae: {  	[dreg:$0x2] =	wrdreg s24  }
0xaf: {  	[dreg:$0x3] =	wrdreg s2  }
0xb0: {  	[dreg:$0x4] =	wrdreg $0x9  }
0xb1: {  	_ =	task.clear_ibuf [dreg:s7], $0x5FFFF;
	_ =	strace $0x90000049  }
0xb2: {  	s29 =	simm.s32 $0x9;
	_ =	strace $0x8000004B  }
0xb3: {  	_ =	swait.ge [sflag:s29], $0x1  }
0xb4: {  	[sflag:s29] =	ssyncadd.s32 $0xFFFFFFFF  }
0xb5: {  	_ =	strace $0x9000004B  }
0xb6: {  	_ =	sfence  }
0xb7: {  	s30 =	sld [smem:$0x0];
	_ =	sdelay $0x2  }
0xb8: {  	s31 =	sshll.u32 s1, $0xD;
	s1 =	sshrl.u32 s1, $0x2  }
0xb9: {  	s3 =	sand.u32 $0x4000, s31;
	s1 =	sadd.s32 s1, s30  }
0xba: {  	s0 =	sor.u32 s3, s0;
	s1 =	sshll.u32 s1, $0x11  }
0xbb: {  	s0 =	sor.u32 s1, s0  }
0xbc: {  	s0 =	sadd.s32 $0x8F2B, s0  }
0xbd: {  	[sflag:s0] =	ssyncadd.remote.s32 $0x1  }
0xbe: {  	_ =	sfence.sel $0xFFFF  }
0xbf: {  	[dreg:$0x0] =	wrdreg $0xFFFFFFFF;
	(pc) =	sbr.abs _section_cstart, $3  }
0xc0: {  	[dreg:$0x1] =	wrdreg $0xFFFFFFFF  }
0xc1: {  	_ =	task.clear_ibuf [dreg:s7], $0x2FFFF;
	_ =	strace $0x9FFFFFFF  }
0xc2: {  	(tm) =	ssettm $0x7FFFFFFF  }
0xc3: {  	_ =	shalt  }
tec
execute0_lowered:
.L_overlay_start_1:
0x0: {  	(tag) =	ssettag $0x1  }
0x1: {  	s6 =	rddreg [dreg:$0x0]  }
0x2: {  	s3 =	rddreg [dreg:$0x1];
	s2 =	simm.s32 $0x0  }
0x3: {  	s13 =	simm.s32 $0x80;
	[smem:$0x7FF] =	sst s2  }
0x4: {  	s15 =	simm.s32 $0x900;
	_ =	strace $0x8000004A;
	[dreg:$0x5] =	wrdreg s13  }
0x5: {  	s16 =	simm.s32 $0x1100;
	[dreg:$0x6] =	wrdreg s15  }
0x6: {  	s4 =	srdreg.scid;
	s17 =	simm.s32 $0x1900;
	[dreg:$0x7] =	wrdreg s16  }
0x7: {  	s0 =	stileid.u32;
	s18 =	simm.s32 $0x2100;
	[dreg:$0x8] =	wrdreg s17  }
0x8: {  	s20 =	simm.s32 $0x2900;
	s21 =	simm.s32 $0x3100;
	[dreg:$0x9] =	wrdreg s18  }
0x9: {  	s23 =	simm.s32 $0x3900;
	s24 =	simm.s32 $0x4100;
	[dreg:$0xa] =	wrdreg s20  }
0xa: {  	s9 =	simm.s32 $0x4900;
	s25 =	simm.s32 $0x5100;
	[dreg:$0xb] =	wrdreg s21  }
0xb: {  	s26 =	simm.s32 $0x5900;
	s30 =	simm.s32 $0x6100;
	[dreg:$0xc] =	wrdreg s23  }
0xc: {  	s10 =	simm.s32 $0x6900;
	s11 =	simm.s32 $0x7100;
	[dreg:$0xd] =	wrdreg s24  }
0xd: {  	s31 =	simm.s32 $0x7900;
	s28 =	simm.s32 $0x2;
	[dreg:$0xe] =	wrdreg s9  }
0xe: {  	s29 =	simm.s32 $0x0;
	s4 =	sand.u32 $0x1, s4;
	[dreg:$0xf] =	wrdreg s25  }
0xf: {  	s5 =	sshll.u32 s0, $0xF;
	s14 =	sshll.u32 s0, $0x8;
	[dreg:$0x10] =	wrdreg s26  }
0x10: {  	s7 =	sadd.s32 s5, s6;
	s3 =	sadd.s32 s5, s3;
	[dreg:$0x11] =	wrdreg s30  }
0x11: {  	s12 =	sshll.u32 s4, $0xE;
	s8 =	sshll.u32 s4, $0x7;
	[dreg:$0x12] =	wrdreg s10  }
0x12: {  	s4 =	ssub.s32 $0x2, s4;
	s9 =	simm.s32 $0x3;
	[dreg:$0x13] =	wrdreg s11  }
0x13: {  	s10 =	simm.s32 $0x100;
	[dreg:$0x14] =	wrdreg s31;
	s11 =	simm.s32 $0x8100  }
0x14: {  	s13 =	simm.s32 $0x9900;
	s15 =	simm.s32 $0xA900;
	s16 =	simm.s32 $0xB100  }
0x15: {  	s17 =	simm.s32 $0xB900;
	s18 =	simm.s32 $0xC100;
	s20 =	simm.s32 $0xD100  }
0x16: {  	s21 =	simm.s32 $0xD900;
	s23 =	simm.s32 $0xE900;
	s24 =	simm.s32 $0xF100  }
0x17: {  	s25 =	simm.s32 $0xF900;
	s26 =	simm.s32 $0x1;
	s3 =	sadd.s32 s12, s3  }
0x18: {  	s5 =	sadd.s32 s12, s7;
	s7 =	sor.u32 s8, s14;
	s22 =	sshrl.u32 s4, $0x1  }
0x19: {  	s12 =	simm.s32 $0x8900;
	s14 =	simm.s32 $0xA100;
	[dreg:$0x3] =	wrdreg s3  }
0x1a: {  	s5 =	sadd.s32 $0x10E00, s5;
	s3 =	sadd.s32 $0x190E00, s6;
	[dreg:$0x15] =	wrdreg s12  }
0x1b: {  	s7 =	sshrl.u32 s7, $0x3;
	s12 =	simm.s32 $0x9100;
	[dreg:$0x4] =	wrdreg s5  }
0x1c: {  	v2 =	vlaneseq.u32;
	s19 =	sadd.s32 s7, s6;
	s7 =	ssub.s32 s4, s22;
	s4 =	sadd.s32 $0x190F00, s6  }
0x1d: {  	vm0 =	vmmov $0xffff;
	v1 =	vshrl.u32 v2, $0x3;
	s5 =	sadd.s32 $0x191000, s6;
	s6 =	sadd.s32 $0x191100, s6;
	s22 =	simm.s32 $0xE100  }
0x1e: {  	v0 =	vand.u32 $0x7, v2;
	v2 =	vor.u32 $0x8, v2;
	v1 =	vmul.u32 $0x8, v1;
	s7 =	smax.u32 s7, $0x1;
	s8 =	sadd.s32 $0x10C00, s19;
	s19 =	simm.s32 $0xC900  }
.LBB2_1:
0x1f: {  	s30 =	smov.u32 s8;
	s31 =	simm.s32 $0x0  }
.LBB2_2:
0x20: {  	s0 =	sadd.s32 $0xFFFFFE00, s30  }
0x21: {  	[tilespmem:s2], [sflag:$0x3] =	stream.linear.gather [hbm4b:s0+s2], $0x20, $0x38;
	[tilespmem:$0x10100] =	vst v63  }
0x22: {  	_ =	swait.ge [sflag:s9], $0x20  }
0x23: {  	[sflag:s9] =	ssyncset.done $0x0  }
0x24: {  	s1 =	rddreg [dreg:$0x5];
	[sflag:s9] =	ssyncadd.s32 $0xFFFFFFE0  }
0x25: {  	[tilespmem:s1], [sflag:$0x3] =	stream.linear.gather [hbm4b:s30+s2], $0x20, $0x38;
	[tilespmem:$0x10100] =	vst v63  }
0x26: {  	_ =	swait.ge [sflag:s9], $0x20  }
0x27: {  	[sflag:s9] =	ssyncset.done $0x0  }
0x28: {  	[sflag:s9] =	ssyncadd.s32 $0xFFFFFFE0  }
0x29: {  	v3 =	vld [tilespmem:$0x0];
	_ =	sdelay $0x4  }
0x2a: {  	v4 =	vshll.u32 v3, $0x3  }
0x2b: {  	v3 =	vand.u32 $0x7, v3;
	v4 =	vand.u32 $0xFFFFFFC0, v4  }
0x2c: {  	v3 =	vor.u32 v3, v4  }
0x2d: {  	v4 =	vperm.xlane v3, v0;
	_ =	sdelay $0x1  }
0x2e: {  	v4 =	vadd.s32 v1, v4;
	_ =	sdelay $0x4  }
0x2f: {  	[tilespmem:s10], [sflag:$0x1] =	stream.indirect_vreg.gather [hbm4b:s3+s2], $0x80, v4, vm0, $0xb8;
	[tilespmem:$0x10100] =	vst v63  }
0x30: {  	s0 =	rddreg [dreg:$0x6];
	v3 =	vperm.xlane v3, v2  }
0x31: {  	[tilespmem:s0], [sflag:$0x1] =	stream.indirect_vreg.gather [hbm4b:s4+s2], $0x80, v4, vm0, $0xb8;
	[tilespmem:$0x10100] =	vst v63  }
0x32: {  	s1 =	rddreg [dreg:$0x7];
	v3 =	vadd.s32 v1, v3  }
0x33: {  	[tilespmem:s1], [sflag:$0x1] =	stream.indirect_vreg.gather [hbm4b:s5+s2], $0x80, v4, vm0, $0xb8;
	[tilespmem:$0x10100] =	vst v63  }
0x34: {  	s0 =	rddreg [dreg:$0x8]  }
0x35: {  	[tilespmem:s0], [sflag:$0x1] =	stream.indirect_vreg.gather [hbm4b:s6+s2], $0x80, v4, vm0, $0xb8;
	[tilespmem:$0x10100] =	vst v63  }
0x36: {  	s1 =	rddreg [dreg:$0x9]  }
0x37: {  	[tilespmem:s1], [sflag:$0x1] =	stream.indirect_vreg.gather [hbm4b:s3+s2], $0x80, v3, vm0, $0xb8;
	[tilespmem:$0x10100] =	vst v63  }
0x38: {  	s0 =	rddreg [dreg:$0xa]  }
0x39: {  	[tilespmem:s0], [sflag:$0x1] =	stream.indirect_vreg.gather [hbm4b:s4+s2], $0x80, v3, vm0, $0xb8;
	[tilespmem:$0x10100] =	vst v63  }
0x3a: {  	s1 =	rddreg [dreg:$0xb]  }
0x3b: {  	[tilespmem:s1], [sflag:$0x1] =	stream.indirect_vreg.gather [hbm4b:s5+s2], $0x80, v3, vm0, $0xb8;
	[tilespmem:$0x10100] =	vst v63  }
0x3c: {  	s0 =	rddreg [dreg:$0xc]  }
0x3d: {  	[tilespmem:s0], [sflag:$0x1] =	stream.indirect_vreg.gather [hbm4b:s6+s2], $0x80, v3, vm0, $0xb8;
	[tilespmem:$0x10100] =	vst v63  }
0x3e: {  	v3 =	vld [tilespmem:$0x10];
	_ =	sdelay $0x4  }
0x3f: {  	v61 =	vshll.u32 v3, $0x3  }
0x40: {  	v3 =	vand.u32 $0x7, v3;
	v4 =	vand.u32 $0xFFFFFFC0, v61  }
0x41: {  	v3 =	vor.u32 v3, v4  }
0x42: {  	v4 =	vperm.xlane v3, v0;
	_ =	sdelay $0x1  }
0x43: {  	v4 =	vadd.s32 v1, v4;
	_ =	sdelay $0x3  }
0x44: {  	s0 =	rddreg [dreg:$0xd]  }
0x45: {  	[tilespmem:s0], [sflag:$0x1] =	stream.indirect_vreg.gather [hbm4b:s3+s2], $0x80, v4, vm0, $0xb8;
	[tilespmem:$0x10100] =	vst v63  }
0x46: {  	s1 =	rddreg [dreg:$0xe];
	v3 =	vperm.xlane v3, v2  }
0x47: {  	[tilespmem:s1], [sflag:$0x1] =	stream.indirect_vreg.gather [hbm4b:s4+s2], $0x80, v4, vm0, $0xb8;
	[tilespmem:$0x10100] =	vst v63  }
0x48: {  	v3 =	vadd.s32 v1, v3;
	s0 =	rddreg [dreg:$0xf]  }
0x49: {  	[tilespmem:s0], [sflag:$0x1] =	stream.indirect_vreg.gather [hbm4b:s5+s2], $0x80, v4, vm0, $0xb8;
	[tilespmem:$0x10100] =	vst v63  }
0x4a: {  	s1 =	rddreg [dreg:$0x10]  }
0x4b: {  	[tilespmem:s1], [sflag:$0x1] =	stream.indirect_vreg.gather [hbm4b:s6+s2], $0x80, v4, vm0, $0xb8;
	[tilespmem:$0x10100] =	vst v63  }
0x4c: {  	s0 =	rddreg [dreg:$0x11]  }
0x4d: {  	[tilespmem:s0], [sflag:$0x1] =	stream.indirect_vreg.gather [hbm4b:s3+s2], $0x80, v3, vm0, $0xb8;
	[tilespmem:$0x10100] =	vst v63  }
0x4e: {  	s1 =	rddreg [dreg:$0x12]  }
0x4f: {  	[tilespmem:s1], [sflag:$0x1] =	stream.indirect_vreg.gather [hbm4b:s4+s2], $0x80, v3, vm0, $0xb8;
	[tilespmem:$0x10100] =	vst v63  }
0x50: {  	s0 =	rddreg [dreg:$0x13]  }
0x51: {  	[tilespmem:s0], [sflag:$0x1] =	stream.indirect_vreg.gather [hbm4b:s5+s2], $0x80, v3, vm0, $0xb8;
	[tilespmem:$0x10100] =	vst v63  }
0x52: {  	s1 =	rddreg [dreg:$0x14]  }
0x53: {  	[tilespmem:s1], [sflag:$0x1] =	stream.indirect_vreg.gather [hbm4b:s6+s2], $0x80, v3, vm0, $0xb8;
	[tilespmem:$0x10100] =	vst v63  }
0x54: {  	v3 =	vld [tilespmem:$0x80];
	_ =	sdelay $0x4  }
0x55: {  	v62 =	vshll.u32 v3, $0x3  }
0x56: {  	v3 =	vand.u32 $0x7, v3;
	v4 =	vand.u32 $0xFFFFFFC0, v62  }
0x57: {  	v3 =	vor.u32 v3, v4  }
0x58: {  	v4 =	vperm.xlane v3, v0;
	_ =	sdelay $0x1  }
0x59: {  	v4 =	vadd.s32 v1, v4;
	_ =	sdelay $0x4  }
0x5a: {  	[tilespmem:s11], [sflag:$0x2] =	stream.indirect_vreg.gather [hbm4b:s3+s2], $0x80, v4, vm0, $0xb8;
	[tilespmem:$0x10100] =	vst v63  }
0x5b: {  	s1 =	rddreg [dreg:$0x15];
	v3 =	vperm.xlane v3, v2  }
0x5c: {  	[tilespmem:s1], [sflag:$0x2] =	stream.indirect_vreg.gather [hbm4b:s4+s2], $0x80, v4, vm0, $0xb8;
	[tilespmem:$0x10100] =	vst v63  }
0x5d: {  	v3 =	vadd.s32 v1, v3  }
0x5e: {  	[tilespmem:s12], [sflag:$0x2] =	stream.indirect_vreg.gather [hbm4b:s5+s2], $0x80, v4, vm0, $0xb8;
	[tilespmem:$0x10100] =	vst v63  }
0x5f: {  	_ = 	snop  }
0x60: {  	[tilespmem:s13], [sflag:$0x2] =	stream.indirect_vreg.gather [hbm4b:s6+s2], $0x80, v4, vm0, $0xb8;
	[tilespmem:$0x10100] =	vst v63  }
0x61: {  	_ = 	snop  }
0x62: {  	[tilespmem:s14], [sflag:$0x2] =	stream.indirect_vreg.gather [hbm4b:s3+s2], $0x80, v3, vm0, $0xb8;
	[tilespmem:$0x10100] =	vst v63  }
0x63: {  	_ = 	snop  }
0x64: {  	[tilespmem:s15], [sflag:$0x2] =	stream.indirect_vreg.gather [hbm4b:s4+s2], $0x80, v3, vm0, $0xb8;
	[tilespmem:$0x10100] =	vst v63  }
0x65: {  	_ = 	snop  }
0x66: {  	[tilespmem:s16], [sflag:$0x2] =	stream.indirect_vreg.gather [hbm4b:s5+s2], $0x80, v3, vm0, $0xb8;
	[tilespmem:$0x10100] =	vst v63  }
0x67: {  	_ = 	snop  }
0x68: {  	[tilespmem:s17], [sflag:$0x2] =	stream.indirect_vreg.gather [hbm4b:s6+s2], $0x80, v3, vm0, $0xb8;
	[tilespmem:$0x10100] =	vst v63  }
0x69: {  	v3 =	vld [tilespmem:$0x90];
	_ =	sdelay $0x4  }
0x6a: {  	v63 =	vshll.u32 v3, $0x3  }
0x6b: {  	v3 =	vand.u32 $0x7, v3;
	v4 =	vand.u32 $0xFFFFFFC0, v63  }
0x6c: {  	v3 =	vor.u32 v3, v4  }
0x6d: {  	v4 =	vperm.xlane v3, v0;
	_ =	sdelay $0x1  }
0x6e: {  	v4 =	vadd.s32 v1, v4;
	_ =	sdelay $0x4  }
0x6f: {  	[tilespmem:s18], [sflag:$0x2] =	stream.indirect_vreg.gather [hbm4b:s3+s2], $0x80, v4, vm0, $0xb8;
	[tilespmem:$0x10100] =	vst v63  }
0x70: {  	v3 =	vperm.xlane v3, v2  }
0x71: {  	[tilespmem:s19], [sflag:$0x2] =	stream.indirect_vreg.gather [hbm4b:s4+s2], $0x80, v4, vm0, $0xb8;
	[tilespmem:$0x10100] =	vst v63  }
0x72: {  	v3 =	vadd.s32 v1, v3  }
0x73: {  	[tilespmem:s20], [sflag:$0x2] =	stream.indirect_vreg.gather [hbm4b:s5+s2], $0x80, v4, vm0, $0xb8;
	[tilespmem:$0x10100] =	vst v63  }
0x74: {  	_ = 	snop  }
0x75: {  	[tilespmem:s21], [sflag:$0x2] =	stream.indirect_vreg.gather [hbm4b:s6+s2], $0x80, v4, vm0, $0xb8;
	[tilespmem:$0x10100] =	vst v63  }
0x76: {  	_ = 	snop  }
0x77: {  	[tilespmem:s22], [sflag:$0x2] =	stream.indirect_vreg.gather [hbm4b:s3+s2], $0x80, v3, vm0, $0xb8;
	[tilespmem:$0x10100] =	vst v63  }
0x78: {  	_ = 	snop  }
0x79: {  	[tilespmem:s23], [sflag:$0x2] =	stream.indirect_vreg.gather [hbm4b:s4+s2], $0x80, v3, vm0, $0xb8;
	[tilespmem:$0x10100] =	vst v63  }
0x7a: {  	_ = 	snop  }
0x7b: {  	[tilespmem:s24], [sflag:$0x2] =	stream.indirect_vreg.gather [hbm4b:s5+s2], $0x80, v3, vm0, $0xb8;
	[tilespmem:$0x10100] =	vst v63  }
0x7c: {  	_ = 	snop  }
0x7d: {  	[tilespmem:s25], [sflag:$0x2] =	stream.indirect_vreg.gather [hbm4b:s6+s2], $0x80, v3, vm0, $0xb8;
	[tilespmem:$0x10100] =	vst v63  }
0x7e: {  	_ =	swait.ge [sflag:s26], $0x8000  }
0x7f: {  	[sflag:s26] =	ssyncset.done $0x0  }
0x80: {  	[sflag:s26] =	ssyncadd.s32 $0xFFFF8000  }
0x81: {  	_ =	swait.ge [sflag:s28], $0x8000  }
0x82: {  	s1 =	rddreg [dreg:$0x3];
	[sflag:s28] =	ssyncset.done $0x0  }
0x83: {  	[sflag:s28] =	ssyncadd.s32 $0xFFFF8000;
	s0 =	sadd.s32 s31, s1  }
0x84: {  	[hbm4b:s0+s2] =	stream.linear.scatter [tilespmem:s10], [sflag:$0x3], $0x8000, $0x38;
	[tilespmem:$0x10100] =	vst v63  }
0x85: {  	_ =	swait.ge [sflag:s9], $0x8000  }
0x86: {  	p0 =	sne.s32 s31, $0x3000;
	s1 =	rddreg [dreg:$0x4];
	[sflag:s9] =	ssyncset.done $0x0  }
.Ltmp0:
0x87: {  	[sflag:s9] =	ssyncadd.s32 $0xFFFF8000;
	s0 =	sadd.s32 s31, s1;
	(pc) =	sbr.rel @p0 .LBB2_2-.Ltmp0, $4  }
0x88: {  	[hbm4b:s0+s2] =	stream.linear.scatter [tilespmem:s11], [sflag:$0x3], $0x8000, $0x38;
	[tilespmem:$0x10100] =	vst v63  }
0x89: {  	_ =	swait.ge [sflag:s9], $0x8000  }
0x8a: {  	[sflag:s9] =	ssyncset.done $0x0  }
0x8b: {  	s30 =	sadd.s32 $0x4, s30;
	s31 =	sadd.s32 $0x1000, s31;
	[sflag:s9] =	ssyncadd.s32 $0xFFFF8000  }
0x8c: {  	s29 =	sadd.s32 $0x1, s29  }
0x8d: {  	p0 =	sne.s32 s29, s7  }
.Ltmp1:
0x8e: {  	_ = 	snop;
	(pc) =	sbr.rel @p0 .LBB2_1-.Ltmp1, $1  }
0x8f: {  	_ =	sdelay $0x3  }
0x90: {  	_ =	sfence.sel $0x180000  }
0x91: {  	[bflag:$0x0] =	sbarrier.arrive $0xFFFF  }
0x92: {  	_ =	strace $0x9000004A  }
0x93: {  	s0 =	stileid.u32;
	[bflag:$0x2] =	sbarrier.arrive $0xFFFF  }
0x94: {  	p0 =	sne.s32 s0, $0x0;
	s0 =	rddreg [dreg:$0x2]  }
0x95: {  	s0 =	sadd.s32 @!p0 $0x100000, s0  }
0x96: {  	[sflag:s0] =	ssyncadd.tile.s32 @!p0 $0x1;
	_ =	shalt  }
.Lfunc_end2:
_tile_overlayer_lowered:
.L_overlay_start_2:
0x97: {  	(tag) =	ssettag $0x2  }
0x98: {  	s0 =	rddreg [dreg:$0x0];
	s2 =	stileid.u32  }
0x99: {  	s1 =	rddreg [dreg:$0x1];
	p0 =	sne.s32 s2, $0x0  }
0x9a: {  	s3 =	rddreg [dreg:$0x2];
	[bflag:$0x3] =	sbarrier.arrive $0xFFFF;
	s2 =	simm.s32 @!p0 $0x1C03  }
0x9b: {  	[timem:s3], [sflag:s2] =	dma.local @!p0 [hbm:s0], s1  }
0x9c: {  	s0 =	simm.s32 @!p0 $0x3  }
0x9d: {  	_ =	swait.ge @!p0 [sflag:s0], s1  }
0x9e: {  	s1 =	ssub.s32 @!p0 $0x0, s1;
	[sflag:s0] =	ssyncset.done @!p0 $0x0  }
0x9f: {  	[sflag:s0] =	ssyncadd.s32 @!p0 s1  }
0xa0: {  	[bflag:$0x3] =	sbarrier.arrive $0xFFFF  }
0xa1: {  	_ =	shalt  }

// kernel: kernel.7.cloned.1.call-start
scs
__scs_entry_jumppad:
0x0: {  	(pc) =	sbr.rel $0x88, $3  }
0x1: {  	(tag) =	ssettag $0x0;
	lr =	simm.s32 $0x1  }
0x2: {  	[smem:$0x3F9D] =	sst lr;
	_ =	strace $0xD0000000  }
0x3: {  	_ = 	snop  }
0x4: {  	_ = 	snop  }
0x5: {  	_ = 	snop  }
0x6: {  	_ = 	snop  }
0x7: {  	_ = 	snop  }
__scs_overlays_trampoline_lowered:
0x8: {  	[smem:$0x3FAC] =	sst s0  }
0x9: {  	[smem:$0x3FAD] =	sst s1  }
0xa: {  	[smem:$0x3FAE] =	sst s2  }
0xb: {  	[smem:$0x3FAF] =	sst s3  }
0xc: {  	[smem:$0x3FB0] =	sst s4  }
0xd: {  	[smem:$0x3FB1] =	sst s5  }
0xe: {  	[smem:$0x3FB2] =	sst s6  }
0xf: {  	[smem:$0x3FB3] =	sst s7  }
0x10: {  	[smem:$0x3FB4] =	sst s8  }
0x11: {  	[smem:$0x3FB5] =	sst s9;
	s0 =	simm.s32 @!p0 $0x0  }
0x12: {  	s1 =	sld [smem:$0x3F9B];
	s0 =	simm.s32 @p0 $0x1  }
0x13: {  	[smem:$0x3FB6] =	sst s0;
	s0 =	simm.s32 @!p1 $0x0  }
0x14: {  	s2 =	sld [smem:$0x3F9A];
	s0 =	simm.s32 @p1 $0x1  }
0x15: {  	[smem:$0x3FB7] =	sst s0;
	s0 =	simm.s32 @!p2 $0x0  }
0x16: {  	s3 =	sld [smem:$0x3FDB];
	s0 =	simm.s32 @p2 $0x1  }
0x17: {  	s4 =	simm.s32 $0x1BF5;
	[smem:$0x3FB9] =	sst s0  }
0x18: {  	s0 =	sld [smem:$0x3F9C];
	_ =	swait.ge [sflag:s4], $0x0  }
0x19: {  	s7 =	sld [smem:$0x3F9D]  }
0x1a: {  	s8 =	sadd.s32 $0xFFFFE003, lr  }
0x1b: {  	s9 =	sadd.s32 $0xFFFFFEF7, lr;
	s5 =	simm.s32 $0xFFFFFFFF;
	p2 =	slt.u32 s8, $0xFFFFF086  }
0x1c: {  	p1 =	slt.u32 s9, $0xF7A;
	s5 =	simm.s32 @!p2 $0x0  }
0x1d: {  	s5 =	simm.s32 @p1 $0x1;
	p0 =	seq.s32 s7, s2  }
0x1e: {  	s7 =	smul.u32 @!p0 $0xF7A, s2;
	p2 =	seq.s32 @!p0 s5, $0x0  }
0x1f: {  	s9 =	smul.u32 $0xF7A, s1;
	s8 =	simm.s32 @!p0 $0x1BF5;
	p2 =	por !p2, p0  }
0x20: {  	[sflag:s8] =	ssyncset.s32 @!p0 $0xFFFFF086;
	s6 =	sadd.s32 @!p0 s3, s7;
	s7 =	simm.s32 @!p0 $0x108  }
0x21: {  	s3 =	sadd.s32 s3, s9;
	s6 =	sadd.s32 @!p0 $0x88, s6;
	s7 =	simm.s32 @p2 $0x1082  }
0x22: {  	[simem:s7], [sflag:s8] =	dma.local @!p0 [hbm:s6], $0xF7A  }
0x23: {  	s9 =	sor.u32 $0xD0000000, s2;
	s6 =	simm.s32 $0x108;
	_ =	swait.ge @!p0 [sflag:s8], $0x0  }
0x24: {  	s3 =	sadd.s32 $0x88, s3;
	s6 =	simm.s32 @!p1 $0x1082;
	[sflag:s4] =	ssyncset.s32 $0xFFFFF086  }
0x25: {  	[simem:s6], [sflag:s4] =	dma.local [hbm:s3], $0xF7A  }
0x26: {  	[smem:$0x3F9D] =	sst s1;
	(tag) =	ssettag s2;
	_ =	strace s9  }
0x27: {  	s1 =	sld [smem:$0x3FAD]  }
0x28: {  	s2 =	sld [smem:$0x3FAE]  }
0x29: {  	s4 =	sld [smem:$0x3FB0]  }
0x2a: {  	p0 =	seq.s32 s5, $0x0;
	s5 =	sld [smem:$0x3FB1]  }
0x2b: {  	s6 =	sld [smem:$0x3FB2]  }
0x2c: {  	s7 =	sld [smem:$0x3FB3]  }
0x2d: {  	s3 =	simm.s32 $0x108;
	s8 =	sld [smem:$0x3FB4]  }
0x2e: {  	s3 =	simm.s32 @!p0 $0x1082;
	s9 =	sld [smem:$0x3FB5]  }
0x2f: {  	lr =	sadd.s32 s0, s3;
	s0 =	sld [smem:$0x3FAC]  }
0x30: {  	s3 =	sld [smem:$0x3FAF]  }
0x31: {  	[smem:$0x3FB8] =	sst s10  }
0x32: {  	s10 =	sld [smem:$0x3FB6];
	_ =	sdelay $0x3  }
0x33: {  	p0 =	seq.s32 s10, $0x1;
	s10 =	sld [smem:$0x3FB8];
	_ =	sdelay $0x3  }
0x34: {  	[smem:$0x3FB8] =	sst s10  }
0x35: {  	s10 =	sld [smem:$0x3FB7];
	_ =	sdelay $0x3  }
0x36: {  	p1 =	seq.s32 s10, $0x1;
	s10 =	sld [smem:$0x3FB8];
	_ =	sdelay $0x3  }
0x37: {  	[smem:$0x3FB8] =	sst s10  }
0x38: {  	s10 =	sld [smem:$0x3FB9]  }
0x39: {  	_ = 	snop;
	(pc) =	sbr.ind lr, $3  }
0x3a: {  	_ = 	snop  }
0x3b: {  	_ = 	snop  }
0x3c: {  	p2 =	seq.s32 s10, $0x1;
	s10 =	sld [smem:$0x3FB8]  }
0x3d: {  	_ =	shalt  }
0x3e: {  	_ =	shalt  }
0x3f: {  	_ =	shalt  }
0x40: {  	_ =	shalt  }
0x41: {  	_ =	shalt  }
0x42: {  	_ =	shalt  }
0x43: {  	_ =	shalt  }
0x44: {  	_ =	shalt  }
0x45: {  	_ =	shalt  }
0x46: {  	_ =	shalt  }
0x47: {  	_ =	shalt  }
0x48: {  	_ =	shalt  }
0x49: {  	_ =	shalt  }
0x4a: {  	_ =	shalt  }
0x4b: {  	_ =	shalt  }
0x4c: {  	_ =	shalt  }
0x4d: {  	_ =	shalt  }
0x4e: {  	_ =	shalt  }
0x4f: {  	_ =	shalt  }
0x50: {  	_ =	shalt  }
0x51: {  	_ =	shalt  }
0x52: {  	_ =	shalt  }
0x53: {  	_ =	shalt  }
0x54: {  	_ =	shalt  }
0x55: {  	_ =	shalt  }
0x56: {  	_ =	shalt  }
0x57: {  	_ =	shalt  }
0x58: {  	_ =	shalt  }
0x59: {  	_ =	shalt  }
0x5a: {  	_ =	shalt  }
0x5b: {  	_ =	shalt  }
0x5c: {  	_ =	shalt  }
0x5d: {  	_ =	shalt  }
0x5e: {  	_ =	shalt  }
0x5f: {  	_ =	shalt  }
0x60: {  	_ =	shalt  }
0x61: {  	_ =	shalt  }
0x62: {  	_ =	shalt  }
0x63: {  	_ =	shalt  }
0x64: {  	_ =	shalt  }
0x65: {  	_ =	shalt  }
0x66: {  	_ =	shalt  }
0x67: {  	_ =	shalt  }
0x68: {  	_ =	shalt  }
0x69: {  	_ =	shalt  }
0x6a: {  	_ =	shalt  }
0x6b: {  	_ =	shalt  }
0x6c: {  	_ =	shalt  }
0x6d: {  	_ =	shalt  }
0x6e: {  	_ =	shalt  }
0x6f: {  	_ =	shalt  }
0x70: {  	_ =	shalt  }
0x71: {  	_ =	shalt  }
0x72: {  	_ =	shalt  }
0x73: {  	_ =	shalt  }
0x74: {  	_ =	shalt  }
0x75: {  	_ =	shalt  }
0x76: {  	_ =	shalt  }
0x77: {  	_ =	shalt  }
0x78: {  	_ =	shalt  }
0x79: {  	_ =	shalt  }
0x7a: {  	_ =	shalt  }
0x7b: {  	_ =	shalt  }
0x7c: {  	_ =	shalt  }
0x7d: {  	_ =	shalt  }
0x7e: {  	_ =	shalt  }
0x7f: {  	_ =	shalt  }
0x80: {  	_ =	shalt  }
0x81: {  	_ =	shalt  }
0x82: {  	_ =	shalt  }
0x83: {  	_ =	shalt  }
0x84: {  	_ =	shalt  }
0x85: {  	_ =	shalt  }
0x86: {  	_ =	shalt  }
0x87: {  	_ =	shalt  }
.Lfunc_end0:
.L_simem_size_0:
called_computation_lowered:
.L_overlay_start_0:
0x88: {  	s2 =	sld [smem:$0x3FD9]  }
0x89: {  	s3 =	sld [smem:$0x3FFE];
	_ =	sdelay $0x1  }
0x8a: {  	s1 =	srdreg.scid  }
0x8b: {  	s0 =	sand.u32 $0x1, s1  }
0x8c: {  	s17 =	sshll.u32 s0, $0xA;
	s2 =	sadd.s32 s3, s2  }
0x8d: {  	s2 =	sadd.s32 s2, s17  }
0x8e: {  	[smem:$0x3FC4] =	sst s2  }
0x8f: {  	_ = 	snop  }
0x90: {  	s2 =	sld [smem:$0x3FC9];
	(tm) =	ssettm $0x1  }
0x91: {  	s18 =	sld [smem:$0x3FFB];
	_ =	sdelay $0x3  }
0x92: {  	_ =	strace s18  }
0x93: {  	s3 =	sld [smem:$0x3FFC];
	_ =	sdelay $0x3  }
0x94: {  	_ =	strace s3  }
0x95: {  	s3 =	sld [smem:$0x3FFD];
	_ =	sdelay $0x3  }
0x96: {  	_ =	strace s3  }
0x97: {  	_ =	strace $0x8FFFFFFF  }
0x98: {  	s19 =	sld [smem:$0x3FDB];
	_ =	sdelay $0x1  }
0x99: {  	s4 =	simm.s32 $_scs_section_size  }
0x9a: {  	s5 =	simm.s32 $_size__tile_overlayer_lowered;
	s6 =	simm.s32 $_tile_overlayer_lowered  }
0x9b: {  	s22 =	simm.s32 $0x1BFF;
	s21 =	sshll.u32 s6, $0x1;
	s3 =	sadd.s32 s4, s19  }
0x9c: {  	s7 =	simm.s32 $0x0;
	s20 =	sshll.u32 s5, $0x1;
	s5 =	sadd.s32 s21, s3  }
0x9d: {  	[timem:s7], [sflag:s22] =	dma.local [hbm:s5], s20  }
0x9e: {  	_ =	swait.ge [sflag:s22], s20  }
0x9f: {  	s4 =	ssub.s32 $0x0, s20;
	[sflag:s22] =	ssyncset.done $0x0  }
0xa0: {  	[sflag:s22] =	ssyncadd.s32 s4;
	_ =	sdelay $0x1  }
0xa1: {  	s23 =	simm.s32 $0x1B8B  }
0xa2: {  	_ =	swait.ge [sflag:s23], $0x1  }
0xa3: {  	[sflag:s23] =	ssyncset.done $0x0  }
0xa4: {  	s25 =	simm.s32 $0x1B8E;
	s24 =	sld [smem:$0x3FFE];
	[sflag:s23] =	ssyncadd.s32 $0xFFFFFFFF  }
0xa5: {  	s26 =	simm.s32 $execute0_lowered;
	[smem:$0x3FD2] =	sst s25  }
0xa6: {  	s5 =	sshll.u32 s26, $0x1;
	_ =	strace $0x80000046;
	[dreg:$0x1] =	wrdreg $0xFFFFFFFF  }
0xa7: {  	s28 =	simm.s32 $_size_execute0_lowered;
	s3 =	sadd.s32 s3, s5;
	[dreg:$0x0] =	wrdreg $0x0  }
0xa8: {  	s5 =	sshll.u32 s28, $0x1;
	[dreg:$0x2] =	wrdreg s3  }
0xa9: {  	[dreg:$0x3] =	wrdreg s5  }
0xaa: {  	[dreg:$0x4] =	wrdreg $0xC0  }
0xab: {  	_ =	task [dreg:s7], $0x5FFFF  }
0xac: {  	[dreg:$0x1] =	wrdreg $0xFFFFFFFF  }
0xad: {  	[dreg:$0x0] =	wrdreg $0x60  }
0xae: {  	[dreg:$0x2] =	wrdreg s2  }
0xaf: {  	[dreg:$0x3] =	wrdreg s24  }
0xb0: {  	[dreg:$0x4] =	wrdreg $0x9  }
0xb1: {  	_ =	task.clear_ibuf [dreg:s7], $0x5FFFF;
	_ =	strace $0x90000046  }
0xb2: {  	s29 =	simm.s32 $0x9;
	_ =	strace $0x80000048  }
0xb3: {  	_ =	swait.ge [sflag:s29], $0x1  }
0xb4: {  	[sflag:s29] =	ssyncadd.s32 $0xFFFFFFFF  }
0xb5: {  	_ =	strace $0x90000048  }
0xb6: {  	_ =	sfence  }
0xb7: {  	s30 =	sld [smem:$0x0];
	_ =	sdelay $0x2  }
0xb8: {  	s31 =	sshll.u32 s1, $0xD;
	s1 =	sshrl.u32 s1, $0x2  }
0xb9: {  	s3 =	sand.u32 $0x4000, s31;
	s1 =	sadd.s32 s1, s30  }
0xba: {  	s0 =	sor.u32 s3, s0;
	s1 =	sshll.u32 s1, $0x11  }
0xbb: {  	s0 =	sor.u32 s1, s0  }
0xbc: {  	s0 =	sadd.s32 $0x8F2B, s0  }
0xbd: {  	[sflag:s0] =	ssyncadd.remote.s32 $0x1  }
0xbe: {  	_ =	sfence.sel $0xFFFF  }
0xbf: {  	[dreg:$0x0] =	wrdreg $0xFFFFFFFF;
	(pc) =	sbr.abs _section_cstart, $3  }
0xc0: {  	[dreg:$0x1] =	wrdreg $0xFFFFFFFF  }
0xc1: {  	_ =	task.clear_ibuf [dreg:s7], $0x2FFFF;
	_ =	strace $0x9FFFFFFF  }
0xc2: {  	(tm) =	ssettm $0x7FFFFFFF  }
0xc3: {  	_ =	shalt  }
tec
execute0_lowered:
.L_overlay_start_1:
0x0: {  	(tag) =	ssettag $0x1  }
0x1: {  	s1 =	srdreg.scid  }
0x2: {  	s5 =	rddreg [dreg:$0x0];
	s0 =	stileid.u32  }
0x3: {  	s6 =	rddreg [dreg:$0x1];
	s2 =	simm.s32 $0x0;
	s10 =	simm.s32 $0x80  }
0x4: {  	s11 =	simm.s32 $0x100;
	s12 =	simm.s32 $0x900;
	s13 =	simm.s32 $0x1100  }
0x5: {  	s14 =	simm.s32 $0x1900;
	s15 =	simm.s32 $0x2100;
	s16 =	simm.s32 $0x2900  }
0x6: {  	s17 =	simm.s32 $0x3100;
	s18 =	simm.s32 $0x3900;
	s19 =	simm.s32 $0x4100  }
0x7: {  	s20 =	simm.s32 $0x4900;
	s21 =	simm.s32 $0x5100;
	s22 =	simm.s32 $0x5900  }
0x8: {  	s23 =	simm.s32 $0x6100;
	s24 =	simm.s32 $0x6900;
	s25 =	simm.s32 $0x7100  }
0x9: {  	s26 =	simm.s32 $0x7900;
	s28 =	simm.s32 $0x1;
	s29 =	simm.s32 $0x2  }
0xa: {  	s30 =	simm.s32 $0x0;
	s1 =	sand.u32 $0x1, s1;
	s3 =	sshll.u32 s0, $0x8  }
0xb: {  	[smem:$0x7FF] =	sst s2;
	s9 =	sshll.u32 s0, $0xF;
	s4 =	sshll.u32 s1, $0x7  }
0xc: {  	s31 =	ssub.s32 $0x2, s1;
	_ =	strace $0x80000047;
	s9 =	sadd.s32 s9, s5  }
0xd: {  	s1 =	sshll.u32 s1, $0xE;
	s5 =	sadd.s32 $0x11000, s6;
	s3 =	sor.u32 s4, s3  }
0xe: {  	s7 =	sshrl.u32 s31, $0x1;
	s4 =	sadd.s32 $0x10F00, s6;
	s1 =	sadd.s32 s1, s9  }
0xf: {  	v2 =	vlaneseq.u32;
	s9 =	simm.s32 $0x3;
	s3 =	sshrl.u32 s3, $0x3;
	s7 =	ssub.s32 s31, s7  }
0x10: {  	vm0 =	vmmov $0xffff;
	v1 =	vshrl.u32 v2, $0x3;
	[dreg:$0x3] =	wrdreg s1;
	s8 =	sadd.s32 s3, s6;
	s3 =	sadd.s32 $0x10E00, s6  }
0x11: {  	v0 =	vand.u32 $0x7, v2;
	v2 =	vor.u32 $0x8, v2;
	v1 =	vmul.u32 $0x8, v1;
	s6 =	sadd.s32 $0x11100, s6;
	s7 =	smax.u32 s7, $0x1;
	s8 =	sadd.s32 $0x10C00, s8  }
.LBB2_1:
0x12: {  	s31 =	smov.u32 s8;
	s1 =	simm.s32 $0x0  }
.LBB2_2:
0x13: {  	s0 =	sadd.s32 $0xFFFFFE00, s31  }
0x14: {  	[tilespmem:s2], [sflag:$0x3] =	stream.linear.gather [hbm4b:s0+s2], $0x20, $0x38;
	[tilespmem:$0x8100] =	vst v63  }
0x15: {  	_ =	swait.ge [sflag:s9], $0x20  }
0x16: {  	[sflag:s9] =	ssyncset.done $0x0  }
0x17: {  	[sflag:s9] =	ssyncadd.s32 $0xFFFFFFE0  }
0x18: {  	[tilespmem:s10], [sflag:$0x3] =	stream.linear.gather [hbm4b:s31+s2], $0x20, $0x38;
	[tilespmem:$0x8100] =	vst v63  }
0x19: {  	_ =	swait.ge [sflag:s9], $0x20  }
0x1a: {  	s0 =	rddreg [dreg:$0x3];
	[sflag:s9] =	ssyncset.done $0x0  }
0x1b: {  	[sflag:s9] =	ssyncadd.s32 $0xFFFFFFE0;
	s0 =	sadd.s32 s1, s0  }
0x1c: {  	[tilespmem:s11], [sflag:$0x3] =	stream.linear.gather [hbm4b:s0+s2], $0x8000, $0x38;
	[tilespmem:$0x8100] =	vst v63  }
0x1d: {  	_ =	swait.ge [sflag:s9], $0x8000  }
0x1e: {  	[sflag:s9] =	ssyncset.done $0x0  }
0x1f: {  	[sflag:s9] =	ssyncadd.s32 $0xFFFF8000  }
0x20: {  	v3 =	vld [tilespmem:$0x0];
	_ =	sdelay $0x4  }
0x21: {  	v4 =	vshll.u32 v3, $0x3  }
0x22: {  	v3 =	vand.u32 $0x7, v3;
	v4 =	vand.u32 $0xFFFFFFC0, v4  }
0x23: {  	v3 =	vor.u32 v3, v4  }
0x24: {  	v4 =	vperm.xlane v3, v0;
	_ =	sdelay $0x1  }
0x25: {  	v4 =	vadd.s32 v1, v4;
	_ =	sdelay $0x4  }
0x26: {  	[hbm4b:s3+s2] =	stream.indirect_vreg.scatter [tilespmem:s11], [sflag:$0x1], $0x80, v4, vm0, $0xb8;
	[tilespmem:$0x8100] =	vst v63  }
0x27: {  	v3 =	vperm.xlane v3, v2  }
0x28: {  	[hbm4b:s4+s2] =	stream.indirect_vreg.scatter [tilespmem:s12], [sflag:$0x1], $0x80, v4, vm0, $0xb8;
	[tilespmem:$0x8100] =	vst v63  }
0x29: {  	v3 =	vadd.s32 v1, v3  }
0x2a: {  	[hbm4b:s5+s2] =	stream.indirect_vreg.scatter [tilespmem:s13], [sflag:$0x1], $0x80, v4, vm0, $0xb8;
	[tilespmem:$0x8100] =	vst v63  }
0x2b: {  	_ = 	snop  }
0x2c: {  	[hbm4b:s6+s2] =	stream.indirect_vreg.scatter [tilespmem:s14], [sflag:$0x1], $0x80, v4, vm0, $0xb8;
	[tilespmem:$0x8100] =	vst v63  }
0x2d: {  	_ = 	snop  }
0x2e: {  	[hbm4b:s3+s2] =	stream.indirect_vreg.scatter [tilespmem:s15], [sflag:$0x1], $0x80, v3, vm0, $0xb8;
	[tilespmem:$0x8100] =	vst v63  }
0x2f: {  	_ = 	snop  }
0x30: {  	[hbm4b:s4+s2] =	stream.indirect_vreg.scatter [tilespmem:s16], [sflag:$0x1], $0x80, v3, vm0, $0xb8;
	[tilespmem:$0x8100] =	vst v63  }
0x31: {  	_ = 	snop  }
0x32: {  	[hbm4b:s5+s2] =	stream.indirect_vreg.scatter [tilespmem:s17], [sflag:$0x1], $0x80, v3, vm0, $0xb8;
	[tilespmem:$0x8100] =	vst v63  }
0x33: {  	_ = 	snop  }
0x34: {  	[hbm4b:s6+s2] =	stream.indirect_vreg.scatter [tilespmem:s18], [sflag:$0x1], $0x80, v3, vm0, $0xb8;
	[tilespmem:$0x8100] =	vst v63  }
0x35: {  	v3 =	vld [tilespmem:$0x10];
	_ =	sdelay $0x4  }
0x36: {  	v61 =	vshll.u32 v3, $0x3  }
0x37: {  	v3 =	vand.u32 $0x7, v3;
	v4 =	vand.u32 $0xFFFFFFC0, v61  }
0x38: {  	v3 =	vor.u32 v3, v4  }
0x39: {  	v4 =	vperm.xlane v3, v0;
	_ =	sdelay $0x1  }
0x3a: {  	v4 =	vadd.s32 v1, v4;
	_ =	sdelay $0x4  }
0x3b: {  	[hbm4b:s3+s2] =	stream.indirect_vreg.scatter [tilespmem:s19], [sflag:$0x1], $0x80, v4, vm0, $0xb8;
	[tilespmem:$0x8100] =	vst v63  }
0x3c: {  	v3 =	vperm.xlane v3, v2  }
0x3d: {  	[hbm4b:s4+s2] =	stream.indirect_vreg.scatter [tilespmem:s20], [sflag:$0x1], $0x80, v4, vm0, $0xb8;
	[tilespmem:$0x8100] =	vst v63  }
0x3e: {  	v3 =	vadd.s32 v1, v3  }
0x3f: {  	[hbm4b:s5+s2] =	stream.indirect_vreg.scatter [tilespmem:s21], [sflag:$0x1], $0x80, v4, vm0, $0xb8;
	[tilespmem:$0x8100] =	vst v63  }
0x40: {  	_ = 	snop  }
0x41: {  	[hbm4b:s6+s2] =	stream.indirect_vreg.scatter [tilespmem:s22], [sflag:$0x1], $0x80, v4, vm0, $0xb8;
	[tilespmem:$0x8100] =	vst v63  }
0x42: {  	_ = 	snop  }
0x43: {  	[hbm4b:s3+s2] =	stream.indirect_vreg.scatter [tilespmem:s23], [sflag:$0x1], $0x80, v3, vm0, $0xb8;
	[tilespmem:$0x8100] =	vst v63  }
0x44: {  	_ = 	snop  }
0x45: {  	[hbm4b:s4+s2] =	stream.indirect_vreg.scatter [tilespmem:s24], [sflag:$0x1], $0x80, v3, vm0, $0xb8;
	[tilespmem:$0x8100] =	vst v63  }
0x46: {  	_ = 	snop  }
0x47: {  	[hbm4b:s5+s2] =	stream.indirect_vreg.scatter [tilespmem:s25], [sflag:$0x1], $0x80, v3, vm0, $0xb8;
	[tilespmem:$0x8100] =	vst v63  }
0x48: {  	_ = 	snop  }
0x49: {  	[hbm4b:s6+s2] =	stream.indirect_vreg.scatter [tilespmem:s26], [sflag:$0x1], $0x80, v3, vm0, $0xb8;
	[tilespmem:$0x8100] =	vst v63  }
0x4a: {  	v3 =	vld [tilespmem:$0x80];
	_ =	sdelay $0x4  }
0x4b: {  	v62 =	vshll.u32 v3, $0x3  }
0x4c: {  	v3 =	vand.u32 $0x7, v3;
	v4 =	vand.u32 $0xFFFFFFC0, v62  }
0x4d: {  	v3 =	vor.u32 v3, v4  }
0x4e: {  	v4 =	vperm.xlane v3, v0;
	_ =	sdelay $0x1  }
0x4f: {  	v4 =	vadd.s32 v1, v4;
	_ =	sdelay $0x4  }
0x50: {  	[hbm4b:s3+s2] =	stream.indirect_vreg.scatter [tilespmem:s11], [sflag:$0x2], $0x80, v4, vm0, $0xb8;
	[tilespmem:$0x8100] =	vst v63  }
0x51: {  	v3 =	vperm.xlane v3, v2  }
0x52: {  	[hbm4b:s4+s2] =	stream.indirect_vreg.scatter [tilespmem:s12], [sflag:$0x2], $0x80, v4, vm0, $0xb8;
	[tilespmem:$0x8100] =	vst v63  }
0x53: {  	v3 =	vadd.s32 v1, v3  }
0x54: {  	[hbm4b:s5+s2] =	stream.indirect_vreg.scatter [tilespmem:s13], [sflag:$0x2], $0x80, v4, vm0, $0xb8;
	[tilespmem:$0x8100] =	vst v63  }
0x55: {  	_ = 	snop  }
0x56: {  	[hbm4b:s6+s2] =	stream.indirect_vreg.scatter [tilespmem:s14], [sflag:$0x2], $0x80, v4, vm0, $0xb8;
	[tilespmem:$0x8100] =	vst v63  }
0x57: {  	_ = 	snop  }
0x58: {  	[hbm4b:s3+s2] =	stream.indirect_vreg.scatter [tilespmem:s15], [sflag:$0x2], $0x80, v3, vm0, $0xb8;
	[tilespmem:$0x8100] =	vst v63  }
0x59: {  	_ = 	snop  }
0x5a: {  	[hbm4b:s4+s2] =	stream.indirect_vreg.scatter [tilespmem:s16], [sflag:$0x2], $0x80, v3, vm0, $0xb8;
	[tilespmem:$0x8100] =	vst v63  }
0x5b: {  	_ = 	snop  }
0x5c: {  	[hbm4b:s5+s2] =	stream.indirect_vreg.scatter [tilespmem:s17], [sflag:$0x2], $0x80, v3, vm0, $0xb8;
	[tilespmem:$0x8100] =	vst v63  }
0x5d: {  	_ = 	snop  }
0x5e: {  	[hbm4b:s6+s2] =	stream.indirect_vreg.scatter [tilespmem:s18], [sflag:$0x2], $0x80, v3, vm0, $0xb8;
	[tilespmem:$0x8100] =	vst v63  }
0x5f: {  	v3 =	vld [tilespmem:$0x90];
	_ =	sdelay $0x4  }
0x60: {  	v63 =	vshll.u32 v3, $0x3  }
0x61: {  	v3 =	vand.u32 $0x7, v3;
	v4 =	vand.u32 $0xFFFFFFC0, v63  }
0x62: {  	v3 =	vor.u32 v3, v4  }
0x63: {  	v4 =	vperm.xlane v3, v0;
	_ =	sdelay $0x1  }
0x64: {  	v4 =	vadd.s32 v1, v4;
	_ =	sdelay $0x4  }
0x65: {  	[hbm4b:s3+s2] =	stream.indirect_vreg.scatter [tilespmem:s19], [sflag:$0x2], $0x80, v4, vm0, $0xb8;
	[tilespmem:$0x8100] =	vst v63  }
0x66: {  	v3 =	vperm.xlane v3, v2  }
0x67: {  	[hbm4b:s4+s2] =	stream.indirect_vreg.scatter [tilespmem:s20], [sflag:$0x2], $0x80, v4, vm0, $0xb8;
	[tilespmem:$0x8100] =	vst v63  }
0x68: {  	v3 =	vadd.s32 v1, v3  }
0x69: {  	[hbm4b:s5+s2] =	stream.indirect_vreg.scatter [tilespmem:s21], [sflag:$0x2], $0x80, v4, vm0, $0xb8;
	[tilespmem:$0x8100] =	vst v63  }
0x6a: {  	_ = 	snop  }
0x6b: {  	[hbm4b:s6+s2] =	stream.indirect_vreg.scatter [tilespmem:s22], [sflag:$0x2], $0x80, v4, vm0, $0xb8;
	[tilespmem:$0x8100] =	vst v63  }
0x6c: {  	_ = 	snop  }
0x6d: {  	[hbm4b:s3+s2] =	stream.indirect_vreg.scatter [tilespmem:s23], [sflag:$0x2], $0x80, v3, vm0, $0xb8;
	[tilespmem:$0x8100] =	vst v63  }
0x6e: {  	_ = 	snop  }
0x6f: {  	[hbm4b:s4+s2] =	stream.indirect_vreg.scatter [tilespmem:s24], [sflag:$0x2], $0x80, v3, vm0, $0xb8;
	[tilespmem:$0x8100] =	vst v63  }
0x70: {  	_ = 	snop  }
0x71: {  	[hbm4b:s5+s2] =	stream.indirect_vreg.scatter [tilespmem:s25], [sflag:$0x2], $0x80, v3, vm0, $0xb8;
	[tilespmem:$0x8100] =	vst v63  }
0x72: {  	_ = 	snop  }
0x73: {  	[hbm4b:s6+s2] =	stream.indirect_vreg.scatter [tilespmem:s26], [sflag:$0x2], $0x80, v3, vm0, $0xb8;
	[tilespmem:$0x8100] =	vst v63  }
0x74: {  	p0 =	sne.s32 s1, $0x3000;
	_ =	swait.ge [sflag:s28], $0x8000  }
.Ltmp0:
0x75: {  	[sflag:s28] =	ssyncset.done $0x0;
	(pc) =	sbr.rel @p0 .LBB2_2-.Ltmp0, $4  }
0x76: {  	[sflag:s28] =	ssyncadd.s32 $0xFFFF8000  }
0x77: {  	_ =	swait.ge [sflag:s29], $0x8000  }
0x78: {  	[sflag:s29] =	ssyncset.done $0x0  }
0x79: {  	s31 =	sadd.s32 $0x4, s31;
	s1 =	sadd.s32 $0x1000, s1;
	[sflag:s29] =	ssyncadd.s32 $0xFFFF8000  }
0x7a: {  	s30 =	sadd.s32 $0x1, s30  }
0x7b: {  	p0 =	sne.s32 s30, s7  }
.Ltmp1:
0x7c: {  	_ = 	snop;
	(pc) =	sbr.rel @p0 .LBB2_1-.Ltmp1, $1  }
0x7d: {  	_ =	sdelay $0x3  }
0x7e: {  	_ =	sfence.sel $0x180000  }
0x7f: {  	[bflag:$0x0] =	sbarrier.arrive $0xFFFF  }
0x80: {  	_ =	strace $0x90000047  }
0x81: {  	s0 =	stileid.u32;
	[bflag:$0x2] =	sbarrier.arrive $0xFFFF  }
0x82: {  	p0 =	sne.s32 s0, $0x0;
	s0 =	rddreg [dreg:$0x2]  }
0x83: {  	s0 =	sadd.s32 @!p0 $0x100000, s0  }
0x84: {  	[sflag:s0] =	ssyncadd.tile.s32 @!p0 $0x1;
	_ =	shalt  }
.Lfunc_end2:
_tile_overlayer_lowered:
.L_overlay_start_2:
0x85: {  	(tag) =	ssettag $0x2  }
0x86: {  	s0 =	rddreg [dreg:$0x0];
	s2 =	stileid.u32  }
0x87: {  	s1 =	rddreg [dreg:$0x1];
	p0 =	sne.s32 s2, $0x0  }
0x88: {  	s3 =	rddreg [dreg:$0x2];
	[bflag:$0x3] =	sbarrier.arrive $0xFFFF;
	s2 =	simm.s32 @!p0 $0x1C03  }
0x89: {  	[timem:s3], [sflag:s2] =	dma.local @!p0 [hbm:s0], s1  }
0x8a: {  	s0 =	simm.s32 @!p0 $0x3  }
0x8b: {  	_ =	swait.ge @!p0 [sflag:s0], s1  }
0x8c: {  	s1 =	ssub.s32 @!p0 $0x0, s1;
	[sflag:s0] =	ssyncset.done @!p0 $0x0  }
0x8d: {  	[sflag:s0] =	ssyncadd.s32 @!p0 s1  }
0x8e: {  	[bflag:$0x3] =	sbarrier.arrive $0xFFFF  }
0x8f: {  	_ =	shalt  }

</sc_bundles>
